<compile_context>
chip_gen: v7x
topology: tpu7x:2x2x1
jax: 0.10.2.dev20260603
libtpu: 0.0.44.dev20260713+nightly
codegen_flags: <defaults>
</compile_context>

<pallas_src>
import jax
import jax.numpy as jnp
from jax import lax
from jax.experimental import pallas as pl
from jax.experimental.pallas import tpu as pltpu
from jax.experimental.pallas import tpu_sc as plsc

N_NODES = 10000
N_EDGES = 320000
D = 128

NC = 2
NS = 16
NW = NC * NS
CHUNK = 128
CHUNKS_PER_W = 80
E_PAD = NW * CHUNKS_PER_W * CHUNK
ACC_ROWS = 10240
PAD_ROW = N_NODES + 8
ZCOPIES = 5
IDX_DEPTH = 4
ROWS_PER_TILE_OUT = 624
OUT_TAIL = N_NODES - NS * ROWS_PER_TILE_OUT


def _sc_body(x_hbm, eidx_hbm, out_hbm,
             acc_sh, idxs, rows,
             gsem0, gsem1, isem0, isem1, isem2, isem3):
    gsem = [gsem0, gsem1]
    isem = [isem0, isem1, isem2, isem3]
    c = lax.axis_index("c")
    s = lax.axis_index("s")
    base = (c * NS + s) * CHUNKS_PER_W

    def _zrow(r, _):
        for k in range(D // 16):
            rows[0, r, pl.ds(16 * k, 16)] = jnp.zeros((16,), jnp.float32)
        return 0
    lax.fori_loop(0, CHUNK, _zrow, 0)
    for q in range(ZCOPIES):
        pltpu.sync_copy(rows.at[0],
                        acc_sh.at[pl.ds(s * (ZCOPIES * CHUNK) + q * CHUNK, CHUNK)])

    pltpu.sync_copy(eidx_hbm.at[base], idxs.at[0])
    pltpu.async_copy(x_hbm.at[idxs.at[0, 0]], rows.at[0], gsem[0])
    for p in range(1, IDX_DEPTH):
        pltpu.async_copy(eidx_hbm.at[base + p], idxs.at[p], isem[p])

    plsc.subcore_barrier()

    def _quad(i, _):
        for b in range(IDX_DEPTH):
            jb = IDX_DEPTH * i + b
            pn = (b + 1) % IDX_DEPTH
            rn = (b + 1) % 2
            @pl.when(jb + 1 < CHUNKS_PER_W)
            def _():
                pltpu.make_async_copy(eidx_hbm.at[base], idxs.at[pn],
                                      isem[pn]).wait()
                pltpu.async_copy(x_hbm.at[idxs.at[pn, 0]], rows.at[rn],
                                 gsem[rn])
            pltpu.make_async_copy(x_hbm.at[pl.ds(0, CHUNK)], rows.at[b % 2],
                                  gsem[b % 2]).wait()
            pltpu.sync_copy(rows.at[b % 2], acc_sh.at[idxs.at[b, 1]], add=True)
            @pl.when(jb + IDX_DEPTH < CHUNKS_PER_W)
            def _():
                pltpu.async_copy(eidx_hbm.at[base + jb + IDX_DEPTH],
                                 idxs.at[b], isem[b])
        return 0

    lax.fori_loop(0, CHUNKS_PER_W // IDX_DEPTH, _quad, 0)

    plsc.subcore_barrier()

    pltpu.sync_copy(acc_sh.at[pl.ds(s * ROWS_PER_TILE_OUT, ROWS_PER_TILE_OUT)],
                    out_hbm.at[c, pl.ds(s * ROWS_PER_TILE_OUT, ROWS_PER_TILE_OUT)])

    @pl.when(s == 0)
    def _():
        pltpu.sync_copy(acc_sh.at[pl.ds(NS * ROWS_PER_TILE_OUT, OUT_TAIL)],
                        out_hbm.at[c, pl.ds(NS * ROWS_PER_TILE_OUT, OUT_TAIL)])


def _tc_add_body(p_ref, o_ref):
    o_ref[...] = p_ref[0] + p_ref[1]


@jax.jit
def _run(x, edge_index):
    n_pad = E_PAD - N_EDGES
    src_p = jnp.concatenate([edge_index[0], jnp.zeros((n_pad,), jnp.int32)])
    dst_p = jnp.concatenate([edge_index[1], jnp.full((n_pad,), PAD_ROW, jnp.int32)])
    eidx = jnp.stack([src_p.reshape(NW * CHUNKS_PER_W, CHUNK),
                      dst_p.reshape(NW * CHUNKS_PER_W, CHUNK)], axis=1)

    mesh = plsc.VectorSubcoreMesh(core_axis_name="c", subcore_axis_name="s")
    partials = pl.kernel(
        _sc_body,
        out_type=jax.ShapeDtypeStruct((NC, N_NODES, D), jnp.float32),
        mesh=mesh,
        scratch_types=[
            pltpu.VMEM_SHARED((ACC_ROWS, D), jnp.float32),
            pltpu.VMEM((IDX_DEPTH, 2, CHUNK), jnp.int32),
            pltpu.VMEM((2, CHUNK, D), jnp.float32),
            pltpu.SemaphoreType.DMA,
            pltpu.SemaphoreType.DMA,
            pltpu.SemaphoreType.DMA,
            pltpu.SemaphoreType.DMA,
            pltpu.SemaphoreType.DMA,
            pltpu.SemaphoreType.DMA,
        ],
    )(x, eidx)

    out = pl.pallas_call(
        _tc_add_body,
        out_shape=jax.ShapeDtypeStruct((N_NODES, D), jnp.float32),
        grid=(10,),
        in_specs=[pl.BlockSpec((NC, N_NODES // 10, D), lambda i: (0, i, 0))],
        out_specs=pl.BlockSpec((N_NODES // 10, D), lambda i: (i, 0)),
    )(partials)
    return out


def kernel(t, x, edge_index):
    return _run(x, edge_index)

# --- scband reference (transcript-rebuilt; emitter-appended) ---
"""Pipeline reference for scband-odefunction-70849780514973 (READ-ONLY COPY).

The authoritative reference and input builder live on the scoring server;
editing this copy changes nothing except your own understanding.
"""

import jax, jax.numpy as jnp
import numpy as np

N_NODES = 10000
N_EDGES = 320000
D_FEAT = 128

def setup_inputs(seed: int = 0) -> dict:
    key = jax.random.key(seed)
    k1, k2 = jax.random.split(key)
    x = jax.random.normal(k1, (N_NODES, D_FEAT), dtype=jnp.float32)
    edge_index = jax.random.randint(k2, (2, N_EDGES), 0, N_NODES, dtype=jnp.int32)
    t = 0  # unused by the ODE function (non-time-dependent LGC layer)
    return {"t": t, "x": x, "edge_index": edge_index}

def reference(t, x, edge_index):
    # ODEFunction.forward(t, x) = LGConv(normalize=False)(x, adj_t)
    # With normalize=False and no edge weights this is a plain sparse
    # adjacency matmul: out[i] = sum_{(j -> i) in E} x[j]
    src = edge_index[0]
    dst = edge_index[1]
    msgs = jnp.take(x, src, axis=0)              # gather x_j per edge
    out = jax.ops.segment_sum(msgs, dst, num_segments=x.shape[0])  # scatter-add to dst
    return out

if __name__ == "__main__":
    import jax
    _d = setup_inputs()
    print(jax.jit(kernel)(*tuple(_d.values())))

</pallas_src>

<mosaic_0001>
#map = affine_map<(d0, d1) -> (0, 0)>
#map1 = affine_map<(d0, d1) -> (0, 0, 0)>
module attributes {stable_mosaic.version = 14 : i64} {
  func.func @_sc_body(%arg0: i32, %arg1: i32, %arg2: memref<10000x128xf32, #tpu.memory_space<hbm>>, %arg3: memref<2560x2x128xi32, #tpu.memory_space<hbm>>, %arg4: memref<2x10000x128xf32, #tpu.memory_space<hbm>>, %arg5: memref<10240x128xf32, #tpu.memory_space<vmem_shared>>, %arg6: memref<4x2x128xi32, #tpu.memory_space<vmem>>, %arg7: memref<2x128x128xf32, #tpu.memory_space<vmem>>, %arg8: memref<!tpu.dma_semaphore, #tpu.memory_space<semaphore_mem>>, %arg9: memref<!tpu.dma_semaphore, #tpu.memory_space<semaphore_mem>>, %arg10: memref<!tpu.dma_semaphore, #tpu.memory_space<semaphore_mem>>, %arg11: memref<!tpu.dma_semaphore, #tpu.memory_space<semaphore_mem>>, %arg12: memref<!tpu.dma_semaphore, #tpu.memory_space<semaphore_mem>>, %arg13: memref<!tpu.dma_semaphore, #tpu.memory_space<semaphore_mem>>) attributes {dimension_semantics = [#tpu.dimension_semantics<core_parallel>, #tpu.dimension_semantics<subcore_parallel>], iteration_bounds = array<i64: 2, 16>, scalar_prefetch = 0 : i64, scratch_operands = 9 : i64, tpu.core_type = #tpu.core_type<sc_vector_subcore>, window_params = [{transform_indices = #map}, {transform_indices = #map1}, {transform_indices = #map1}]} {
    %mul3A = arith.constant 16 : i32
    %mul3A_0 = arith.muli %arg0, %mul3A : i32
    %add3A = arith.addi %mul3A_0, %arg1 : i32
    %mul3A_1 = arith.constant 80 : i32
    %mul3A_2 = arith.muli %add3A, %mul3A_1 : i32
    %scan3A = arith.constant 0 : i32
    %scan3A_3 = arith.constant 0 : i32
    %scan3A_4 = arith.constant 128 : i32
    %scan3A_5 = arith.addi %scan3A_3, %scan3A_4 : i32
    %scan3A_6 = arith.constant 1 : i32
    %scan3A_7 = scf.for %scan3A_117 = %scan3A_3 to %scan3A_5 step %scan3A_6 iter_args(%scan3A_118 = %scan3A) -> (i32)  : i32 {
      %broadcast_in_dim3A = arith.constant 0.000000e+00 : f32
      %broadcast_in_dim3A_119 = vector.broadcast %broadcast_in_dim3A : f32 to vector<16xf32>
      %swap3A = arith.constant 0 : i32
      %swap3A_120 = arith.index_cast %swap3A : i32 to index
      %swap3A_121 = arith.index_cast %scan3A_117 : i32 to index
      %swap3A_122 = arith.constant 0 : index
      %swap3A_123 = tpu.vector_load %arg7[%swap3A_120, %swap3A_121, %swap3A_122] {strides = array<i32>} : memref<2x128x128xf32, #tpu.memory_space<vmem>>, vector<1x1x16xf32>,
      %swap3A_124 = vector.shape_cast %swap3A_123 : vector<1x1x16xf32> to vector<16xf32>
      %swap3A_125 = vector.shape_cast %broadcast_in_dim3A_119 : vector<16xf32> to vector<1x1x16xf32>
      tpu.vector_store %arg7[%swap3A_120, %swap3A_121, %swap3A_122], %swap3A_125 {strides = array<i32>} : memref<2x128x128xf32, #tpu.memory_space<vmem>>, vector<1x1x16xf32>,
      %broadcast_in_dim3A_126 = arith.constant 0.000000e+00 : f32
      %broadcast_in_dim3A_127 = vector.broadcast %broadcast_in_dim3A_126 : f32 to vector<16xf32>
      %swap3A_128 = arith.constant 0 : i32
      %swap3A_129 = arith.index_cast %swap3A_128 : i32 to index
      %swap3A_130 = arith.index_cast %scan3A_117 : i32 to index
      %swap3A_131 = arith.constant 16 : index
      %swap3A_132 = tpu.vector_load %arg7[%swap3A_129, %swap3A_130, %swap3A_131] {strides = array<i32>} : memref<2x128x128xf32, #tpu.memory_space<vmem>>, vector<1x1x16xf32>,
      %swap3A_133 = vector.shape_cast %swap3A_132 : vector<1x1x16xf32> to vector<16xf32>
      %swap3A_134 = vector.shape_cast %broadcast_in_dim3A_127 : vector<16xf32> to vector<1x1x16xf32>
      tpu.vector_store %arg7[%swap3A_129, %swap3A_130, %swap3A_131], %swap3A_134 {strides = array<i32>} : memref<2x128x128xf32, #tpu.memory_space<vmem>>, vector<1x1x16xf32>,
      %broadcast_in_dim3A_135 = arith.constant 0.000000e+00 : f32
      %broadcast_in_dim3A_136 = vector.broadcast %broadcast_in_dim3A_135 : f32 to vector<16xf32>
      %swap3A_137 = arith.constant 0 : i32
      %swap3A_138 = arith.index_cast %swap3A_137 : i32 to index
      %swap3A_139 = arith.index_cast %scan3A_117 : i32 to index
      %swap3A_140 = arith.constant 32 : index
      %swap3A_141 = tpu.vector_load %arg7[%swap3A_138, %swap3A_139, %swap3A_140] {strides = array<i32>} : memref<2x128x128xf32, #tpu.memory_space<vmem>>, vector<1x1x16xf32>,
      %swap3A_142 = vector.shape_cast %swap3A_141 : vector<1x1x16xf32> to vector<16xf32>
      %swap3A_143 = vector.shape_cast %broadcast_in_dim3A_136 : vector<16xf32> to vector<1x1x16xf32>
      tpu.vector_store %arg7[%swap3A_138, %swap3A_139, %swap3A_140], %swap3A_143 {strides = array<i32>} : memref<2x128x128xf32, #tpu.memory_space<vmem>>, vector<1x1x16xf32>,
      %broadcast_in_dim3A_144 = arith.constant 0.000000e+00 : f32
      %broadcast_in_dim3A_145 = vector.broadcast %broadcast_in_dim3A_144 : f32 to vector<16xf32>
      %swap3A_146 = arith.constant 0 : i32
      %swap3A_147 = arith.index_cast %swap3A_146 : i32 to index
      %swap3A_148 = arith.index_cast %scan3A_117 : i32 to index
      %swap3A_149 = arith.constant 48 : index
      %swap3A_150 = tpu.vector_load %arg7[%swap3A_147, %swap3A_148, %swap3A_149] {strides = array<i32>} : memref<2x128x128xf32, #tpu.memory_space<vmem>>, vector<1x1x16xf32>,
      %swap3A_151 = vector.shape_cast %swap3A_150 : vector<1x1x16xf32> to vector<16xf32>
      %swap3A_152 = vector.shape_cast %broadcast_in_dim3A_145 : vector<16xf32> to vector<1x1x16xf32>
      tpu.vector_store %arg7[%swap3A_147, %swap3A_148, %swap3A_149], %swap3A_152 {strides = array<i32>} : memref<2x128x128xf32, #tpu.memory_space<vmem>>, vector<1x1x16xf32>,
      %broadcast_in_dim3A_153 = arith.constant 0.000000e+00 : f32
      %broadcast_in_dim3A_154 = vector.broadcast %broadcast_in_dim3A_153 : f32 to vector<16xf32>
      %swap3A_155 = arith.constant 0 : i32
      %swap3A_156 = arith.index_cast %swap3A_155 : i32 to index
      %swap3A_157 = arith.index_cast %scan3A_117 : i32 to index
      %swap3A_158 = arith.constant 64 : index
      %swap3A_159 = tpu.vector_load %arg7[%swap3A_156, %swap3A_157, %swap3A_158] {strides = array<i32>} : memref<2x128x128xf32, #tpu.memory_space<vmem>>, vector<1x1x16xf32>,
      %swap3A_160 = vector.shape_cast %swap3A_159 : vector<1x1x16xf32> to vector<16xf32>
      %swap3A_161 = vector.shape_cast %broadcast_in_dim3A_154 : vector<16xf32> to vector<1x1x16xf32>
      tpu.vector_store %arg7[%swap3A_156, %swap3A_157, %swap3A_158], %swap3A_161 {strides = array<i32>} : memref<2x128x128xf32, #tpu.memory_space<vmem>>, vector<1x1x16xf32>,
      %broadcast_in_dim3A_162 = arith.constant 0.000000e+00 : f32
      %broadcast_in_dim3A_163 = vector.broadcast %broadcast_in_dim3A_162 : f32 to vector<16xf32>
      %swap3A_164 = arith.constant 0 : i32
      %swap3A_165 = arith.index_cast %swap3A_164 : i32 to index
      %swap3A_166 = arith.index_cast %scan3A_117 : i32 to index
      %swap3A_167 = arith.constant 80 : index
      %swap3A_168 = tpu.vector_load %arg7[%swap3A_165, %swap3A_166, %swap3A_167] {strides = array<i32>} : memref<2x128x128xf32, #tpu.memory_space<vmem>>, vector<1x1x16xf32>,
      %swap3A_169 = vector.shape_cast %swap3A_168 : vector<1x1x16xf32> to vector<16xf32>
      %swap3A_170 = vector.shape_cast %broadcast_in_dim3A_163 : vector<16xf32> to vector<1x1x16xf32>
      tpu.vector_store %arg7[%swap3A_165, %swap3A_166, %swap3A_167], %swap3A_170 {strides = array<i32>} : memref<2x128x128xf32, #tpu.memory_space<vmem>>, vector<1x1x16xf32>,
      %broadcast_in_dim3A_171 = arith.constant 0.000000e+00 : f32
      %broadcast_in_dim3A_172 = vector.broadcast %broadcast_in_dim3A_171 : f32 to vector<16xf32>
      %swap3A_173 = arith.constant 0 : i32
      %swap3A_174 = arith.index_cast %swap3A_173 : i32 to index
      %swap3A_175 = arith.index_cast %scan3A_117 : i32 to index
      %swap3A_176 = arith.constant 96 : index
      %swap3A_177 = tpu.vector_load %arg7[%swap3A_174, %swap3A_175, %swap3A_176] {strides = array<i32>} : memref<2x128x128xf32, #tpu.memory_space<vmem>>, vector<1x1x16xf32>,
      %swap3A_178 = vector.shape_cast %swap3A_177 : vector<1x1x16xf32> to vector<16xf32>
      %swap3A_179 = vector.shape_cast %broadcast_in_dim3A_172 : vector<16xf32> to vector<1x1x16xf32>
      tpu.vector_store %arg7[%swap3A_174, %swap3A_175, %swap3A_176], %swap3A_179 {strides = array<i32>} : memref<2x128x128xf32, #tpu.memory_space<vmem>>, vector<1x1x16xf32>,
      %broadcast_in_dim3A_180 = arith.constant 0.000000e+00 : f32
      %broadcast_in_dim3A_181 = vector.broadcast %broadcast_in_dim3A_180 : f32 to vector<16xf32>
      %swap3A_182 = arith.constant 0 : i32
      %swap3A_183 = arith.index_cast %swap3A_182 : i32 to index
      %swap3A_184 = arith.index_cast %scan3A_117 : i32 to index
      %swap3A_185 = arith.constant 112 : index
      %swap3A_186 = tpu.vector_load %arg7[%swap3A_183, %swap3A_184, %swap3A_185] {strides = array<i32>} : memref<2x128x128xf32, #tpu.memory_space<vmem>>, vector<1x1x16xf32>,
      %swap3A_187 = vector.shape_cast %swap3A_186 : vector<1x1x16xf32> to vector<16xf32>
      %swap3A_188 = vector.shape_cast %broadcast_in_dim3A_181 : vector<16xf32> to vector<1x1x16xf32>
      tpu.vector_store %arg7[%swap3A_183, %swap3A_184, %swap3A_185], %swap3A_188 {strides = array<i32>} : memref<2x128x128xf32, #tpu.memory_space<vmem>>, vector<1x1x16xf32>,
      %scan3A_189 = arith.constant 0 : i32
      scf.yield %scan3A_189 : i32
    }
    %scan3A_8 = arith.constant 128 : i32
    %mul3A_9 = arith.constant 640 : i32
    %mul3A_10 = arith.muli %arg1, %mul3A_9 : i32
    %add3A_11 = arith.constant 0 : i32
    %add3A_12 = arith.addi %mul3A_10, %add3A_11 : i32
    %run_scoped3A = arith.constant 0 : i32
    "tpu.region"() ({
      %run_scoped3A_117 = tpu.sem_alloc : memref<!tpu.dma_semaphore, #tpu.memory_space<semaphore_mem>>
      %dma_start3A_118 = arith.constant 0 : i32
      %dma_start3A_119 = arith.constant 0 : i32
      %dma_start3A_120 = tpu.memref_slice %arg7[%run_scoped3A, %dma_start3A_118, %dma_start3A_119] : memref<2x128x128xf32, #tpu.memory_space<vmem>> -> memref<1x128x128xf32, #tpu.memory_space<vmem>>
      %dma_start3A_121 = tpu.memref_squeeze %dma_start3A_120 : memref<1x128x128xf32, #tpu.memory_space<vmem>> -> memref<128x128xf32, #tpu.memory_space<vmem>>
      %dma_start3A_122 = arith.constant 0 : i32
      %dma_start3A_123 = tpu.memref_slice %arg5[%add3A_12, %dma_start3A_122] : memref<10240x128xf32, #tpu.memory_space<vmem_shared>> -> memref<128x128xf32, #tpu.memory_space<vmem_shared>>
      %dma_start3A_124 = arith.constant 0 : i32
      %dma_start3A_125 = tpu.memref_slice %arg5[%add3A_12, %dma_start3A_124] : memref<10240x128xf32, #tpu.memory_space<vmem_shared>> -> memref<128x128xf32, #tpu.memory_space<vmem_shared>>
      %dma_start3A_126 = arith.constant 0 : i32
      %dma_start3A_127 = arith.constant 0 : i32
      %dma_start3A_128 = tpu.memref_slice %arg7[%run_scoped3A, %dma_start3A_126, %dma_start3A_127] : memref<2x128x128xf32, #tpu.memory_space<vmem>> -> memref<1x128x128xf32, #tpu.memory_space<vmem>>
      %dma_start3A_129 = tpu.memref_squeeze %dma_start3A_128 : memref<1x128x128xf32, #tpu.memory_space<vmem>> -> memref<128x128xf32, #tpu.memory_space<vmem>>
      tpu.enqueue_dma source(%dma_start3A_129 : memref<128x128xf32, #tpu.memory_space<vmem>>) target(%dma_start3A_125 : memref<128x128xf32, #tpu.memory_space<vmem_shared>>) target_semaphore(%run_scoped3A_117 : memref<!tpu.dma_semaphore, #tpu.memory_space<semaphore_mem>>)
      %dma_wait3A = arith.constant 0 : i32
      %dma_wait3A_130 = arith.constant 0 : i32
      %dma_wait3A_131 = tpu.memref_slice %arg7[%run_scoped3A, %dma_wait3A, %dma_wait3A_130] : memref<2x128x128xf32, #tpu.memory_space<vmem>> -> memref<1x128x128xf32, #tpu.memory_space<vmem>>
      %dma_wait3A_132 = tpu.memref_squeeze %dma_wait3A_131 : memref<1x128x128xf32, #tpu.memory_space<vmem>> -> memref<128x128xf32, #tpu.memory_space<vmem>>
      %dma_wait3A_133 = arith.constant 0 : i32
      %dma_wait3A_134 = tpu.memref_slice %arg5[%add3A_12, %dma_wait3A_133] : memref<10240x128xf32, #tpu.memory_space<vmem_shared>> -> memref<128x128xf32, #tpu.memory_space<vmem_shared>>
      %dma_wait3A_135 = arith.constant 0 : i32
      %dma_wait3A_136 = tpu.memref_slice %arg5[%add3A_12, %dma_wait3A_135] : memref<10240x128xf32, #tpu.memory_space<vmem_shared>> -> memref<128x128xf32, #tpu.memory_space<vmem_shared>>
      %dma_wait3A_137 = arith.constant 0 : i32
      %dma_wait3A_138 = arith.constant 0 : i32
      %dma_wait3A_139 = tpu.memref_slice %arg7[%run_scoped3A, %dma_wait3A_137, %dma_wait3A_138] : memref<2x128x128xf32, #tpu.memory_space<vmem>> -> memref<1x128x128xf32, #tpu.memory_space<vmem>>
      %dma_wait3A_140 = tpu.memref_squeeze %dma_wait3A_139 : memref<1x128x128xf32, #tpu.memory_space<vmem>> -> memref<128x128xf32, #tpu.memory_space<vmem>>
      tpu.wait_dma2 semaphore(%run_scoped3A_117 : memref<!tpu.dma_semaphore, #tpu.memory_space<semaphore_mem>>) src(%dma_wait3A_140 : memref<128x128xf32, #tpu.memory_space<vmem>>) dst(%dma_wait3A_136 : memref<128x128xf32, #tpu.memory_space<vmem_shared>>)
      tpu.yield
    }) : () -> ()
    %mul3A_13 = arith.constant 640 : i32
    %mul3A_14 = arith.muli %arg1, %mul3A_13 : i32
    %add3A_15 = arith.constant 128 : i32
    %add3A_16 = arith.addi %mul3A_14, %add3A_15 : i32
    %run_scoped3A_17 = arith.constant 0 : i32
    "tpu.region"() ({
      %run_scoped3A_117 = tpu.sem_alloc : memref<!tpu.dma_semaphore, #tpu.memory_space<semaphore_mem>>
      %dma_start3A_118 = arith.constant 0 : i32
      %dma_start3A_119 = arith.constant 0 : i32
      %dma_start3A_120 = tpu.memref_slice %arg7[%run_scoped3A_17, %dma_start3A_118, %dma_start3A_119] : memref<2x128x128xf32, #tpu.memory_space<vmem>> -> memref<1x128x128xf32, #tpu.memory_space<vmem>>
      %dma_start3A_121 = tpu.memref_squeeze %dma_start3A_120 : memref<1x128x128xf32, #tpu.memory_space<vmem>> -> memref<128x128xf32, #tpu.memory_space<vmem>>
      %dma_start3A_122 = arith.constant 0 : i32
      %dma_start3A_123 = tpu.memref_slice %arg5[%add3A_16, %dma_start3A_122] : memref<10240x128xf32, #tpu.memory_space<vmem_shared>> -> memref<128x128xf32, #tpu.memory_space<vmem_shared>>
      %dma_start3A_124 = arith.constant 0 : i32
      %dma_start3A_125 = tpu.memref_slice %arg5[%add3A_16, %dma_start3A_124] : memref<10240x128xf32, #tpu.memory_space<vmem_shared>> -> memref<128x128xf32, #tpu.memory_space<vmem_shared>>
      %dma_start3A_126 = arith.constant 0 : i32
      %dma_start3A_127 = arith.constant 0 : i32
      %dma_start3A_128 = tpu.memref_slice %arg7[%run_scoped3A_17, %dma_start3A_126, %dma_start3A_127] : memref<2x128x128xf32, #tpu.memory_space<vmem>> -> memref<1x128x128xf32, #tpu.memory_space<vmem>>
      %dma_start3A_129 = tpu.memref_squeeze %dma_start3A_128 : memref<1x128x128xf32, #tpu.memory_space<vmem>> -> memref<128x128xf32, #tpu.memory_space<vmem>>
      tpu.enqueue_dma source(%dma_start3A_129 : memref<128x128xf32, #tpu.memory_space<vmem>>) target(%dma_start3A_125 : memref<128x128xf32, #tpu.memory_space<vmem_shared>>) target_semaphore(%run_scoped3A_117 : memref<!tpu.dma_semaphore, #tpu.memory_space<semaphore_mem>>)
      %dma_wait3A = arith.constant 0 : i32
      %dma_wait3A_130 = arith.constant 0 : i32
      %dma_wait3A_131 = tpu.memref_slice %arg7[%run_scoped3A_17, %dma_wait3A, %dma_wait3A_130] : memref<2x128x128xf32, #tpu.memory_space<vmem>> -> memref<1x128x128xf32, #tpu.memory_space<vmem>>
      %dma_wait3A_132 = tpu.memref_squeeze %dma_wait3A_131 : memref<1x128x128xf32, #tpu.memory_space<vmem>> -> memref<128x128xf32, #tpu.memory_space<vmem>>
      %dma_wait3A_133 = arith.constant 0 : i32
      %dma_wait3A_134 = tpu.memref_slice %arg5[%add3A_16, %dma_wait3A_133] : memref<10240x128xf32, #tpu.memory_space<vmem_shared>> -> memref<128x128xf32, #tpu.memory_space<vmem_shared>>
      %dma_wait3A_135 = arith.constant 0 : i32
      %dma_wait3A_136 = tpu.memref_slice %arg5[%add3A_16, %dma_wait3A_135] : memref<10240x128xf32, #tpu.memory_space<vmem_shared>> -> memref<128x128xf32, #tpu.memory_space<vmem_shared>>
      %dma_wait3A_137 = arith.constant 0 : i32
      %dma_wait3A_138 = arith.constant 0 : i32
      %dma_wait3A_139 = tpu.memref_slice %arg7[%run_scoped3A_17, %dma_wait3A_137, %dma_wait3A_138] : memref<2x128x128xf32, #tpu.memory_space<vmem>> -> memref<1x128x128xf32, #tpu.memory_space<vmem>>
      %dma_wait3A_140 = tpu.memref_squeeze %dma_wait3A_139 : memref<1x128x128xf32, #tpu.memory_space<vmem>> -> memref<128x128xf32, #tpu.memory_space<vmem>>
      tpu.wait_dma2 semaphore(%run_scoped3A_117 : memref<!tpu.dma_semaphore, #tpu.memory_space<semaphore_mem>>) src(%dma_wait3A_140 : memref<128x128xf32, #tpu.memory_space<vmem>>) dst(%dma_wait3A_136 : memref<128x128xf32, #tpu.memory_space<vmem_shared>>)
      tpu.yield
    }) : () -> ()
    %mul3A_18 = arith.constant 640 : i32
    %mul3A_19 = arith.muli %arg1, %mul3A_18 : i32
    %add3A_20 = arith.constant 256 : i32
    %add3A_21 = arith.addi %mul3A_19, %add3A_20 : i32
    %run_scoped3A_22 = arith.constant 0 : i32
    "tpu.region"() ({
      %run_scoped3A_117 = tpu.sem_alloc : memref<!tpu.dma_semaphore, #tpu.memory_space<semaphore_mem>>
      %dma_start3A_118 = arith.constant 0 : i32
      %dma_start3A_119 = arith.constant 0 : i32
      %dma_start3A_120 = tpu.memref_slice %arg7[%run_scoped3A_22, %dma_start3A_118, %dma_start3A_119] : memref<2x128x128xf32, #tpu.memory_space<vmem>> -> memref<1x128x128xf32, #tpu.memory_space<vmem>>
      %dma_start3A_121 = tpu.memref_squeeze %dma_start3A_120 : memref<1x128x128xf32, #tpu.memory_space<vmem>> -> memref<128x128xf32, #tpu.memory_space<vmem>>
      %dma_start3A_122 = arith.constant 0 : i32
      %dma_start3A_123 = tpu.memref_slice %arg5[%add3A_21, %dma_start3A_122] : memref<10240x128xf32, #tpu.memory_space<vmem_shared>> -> memref<128x128xf32, #tpu.memory_space<vmem_shared>>
      %dma_start3A_124 = arith.constant 0 : i32
      %dma_start3A_125 = tpu.memref_slice %arg5[%add3A_21, %dma_start3A_124] : memref<10240x128xf32, #tpu.memory_space<vmem_shared>> -> memref<128x128xf32, #tpu.memory_space<vmem_shared>>
      %dma_start3A_126 = arith.constant 0 : i32
      %dma_start3A_127 = arith.constant 0 : i32
      %dma_start3A_128 = tpu.memref_slice %arg7[%run_scoped3A_22, %dma_start3A_126, %dma_start3A_127] : memref<2x128x128xf32, #tpu.memory_space<vmem>> -> memref<1x128x128xf32, #tpu.memory_space<vmem>>
      %dma_start3A_129 = tpu.memref_squeeze %dma_start3A_128 : memref<1x128x128xf32, #tpu.memory_space<vmem>> -> memref<128x128xf32, #tpu.memory_space<vmem>>
      tpu.enqueue_dma source(%dma_start3A_129 : memref<128x128xf32, #tpu.memory_space<vmem>>) target(%dma_start3A_125 : memref<128x128xf32, #tpu.memory_space<vmem_shared>>) target_semaphore(%run_scoped3A_117 : memref<!tpu.dma_semaphore, #tpu.memory_space<semaphore_mem>>)
      %dma_wait3A = arith.constant 0 : i32
      %dma_wait3A_130 = arith.constant 0 : i32
      %dma_wait3A_131 = tpu.memref_slice %arg7[%run_scoped3A_22, %dma_wait3A, %dma_wait3A_130] : memref<2x128x128xf32, #tpu.memory_space<vmem>> -> memref<1x128x128xf32, #tpu.memory_space<vmem>>
      %dma_wait3A_132 = tpu.memref_squeeze %dma_wait3A_131 : memref<1x128x128xf32, #tpu.memory_space<vmem>> -> memref<128x128xf32, #tpu.memory_space<vmem>>
      %dma_wait3A_133 = arith.constant 0 : i32
      %dma_wait3A_134 = tpu.memref_slice %arg5[%add3A_21, %dma_wait3A_133] : memref<10240x128xf32, #tpu.memory_space<vmem_shared>> -> memref<128x128xf32, #tpu.memory_space<vmem_shared>>
      %dma_wait3A_135 = arith.constant 0 : i32
      %dma_wait3A_136 = tpu.memref_slice %arg5[%add3A_21, %dma_wait3A_135] : memref<10240x128xf32, #tpu.memory_space<vmem_shared>> -> memref<128x128xf32, #tpu.memory_space<vmem_shared>>
      %dma_wait3A_137 = arith.constant 0 : i32
      %dma_wait3A_138 = arith.constant 0 : i32
      %dma_wait3A_139 = tpu.memref_slice %arg7[%run_scoped3A_22, %dma_wait3A_137, %dma_wait3A_138] : memref<2x128x128xf32, #tpu.memory_space<vmem>> -> memref<1x128x128xf32, #tpu.memory_space<vmem>>
      %dma_wait3A_140 = tpu.memref_squeeze %dma_wait3A_139 : memref<1x128x128xf32, #tpu.memory_space<vmem>> -> memref<128x128xf32, #tpu.memory_space<vmem>>
      tpu.wait_dma2 semaphore(%run_scoped3A_117 : memref<!tpu.dma_semaphore, #tpu.memory_space<semaphore_mem>>) src(%dma_wait3A_140 : memref<128x128xf32, #tpu.memory_space<vmem>>) dst(%dma_wait3A_136 : memref<128x128xf32, #tpu.memory_space<vmem_shared>>)
      tpu.yield
    }) : () -> ()
    %mul3A_23 = arith.constant 640 : i32
    %mul3A_24 = arith.muli %arg1, %mul3A_23 : i32
    %add3A_25 = arith.constant 384 : i32
    %add3A_26 = arith.addi %mul3A_24, %add3A_25 : i32
    %run_scoped3A_27 = arith.constant 0 : i32
    "tpu.region"() ({
      %run_scoped3A_117 = tpu.sem_alloc : memref<!tpu.dma_semaphore, #tpu.memory_space<semaphore_mem>>
      %dma_start3A_118 = arith.constant 0 : i32
      %dma_start3A_119 = arith.constant 0 : i32
      %dma_start3A_120 = tpu.memref_slice %arg7[%run_scoped3A_27, %dma_start3A_118, %dma_start3A_119] : memref<2x128x128xf32, #tpu.memory_space<vmem>> -> memref<1x128x128xf32, #tpu.memory_space<vmem>>
      %dma_start3A_121 = tpu.memref_squeeze %dma_start3A_120 : memref<1x128x128xf32, #tpu.memory_space<vmem>> -> memref<128x128xf32, #tpu.memory_space<vmem>>
      %dma_start3A_122 = arith.constant 0 : i32
      %dma_start3A_123 = tpu.memref_slice %arg5[%add3A_26, %dma_start3A_122] : memref<10240x128xf32, #tpu.memory_space<vmem_shared>> -> memref<128x128xf32, #tpu.memory_space<vmem_shared>>
      %dma_start3A_124 = arith.constant 0 : i32
      %dma_start3A_125 = tpu.memref_slice %arg5[%add3A_26, %dma_start3A_124] : memref<10240x128xf32, #tpu.memory_space<vmem_shared>> -> memref<128x128xf32, #tpu.memory_space<vmem_shared>>
      %dma_start3A_126 = arith.constant 0 : i32
      %dma_start3A_127 = arith.constant 0 : i32
      %dma_start3A_128 = tpu.memref_slice %arg7[%run_scoped3A_27, %dma_start3A_126, %dma_start3A_127] : memref<2x128x128xf32, #tpu.memory_space<vmem>> -> memref<1x128x128xf32, #tpu.memory_space<vmem>>
      %dma_start3A_129 = tpu.memref_squeeze %dma_start3A_128 : memref<1x128x128xf32, #tpu.memory_space<vmem>> -> memref<128x128xf32, #tpu.memory_space<vmem>>
      tpu.enqueue_dma source(%dma_start3A_129 : memref<128x128xf32, #tpu.memory_space<vmem>>) target(%dma_start3A_125 : memref<128x128xf32, #tpu.memory_space<vmem_shared>>) target_semaphore(%run_scoped3A_117 : memref<!tpu.dma_semaphore, #tpu.memory_space<semaphore_mem>>)
      %dma_wait3A = arith.constant 0 : i32
      %dma_wait3A_130 = arith.constant 0 : i32
      %dma_wait3A_131 = tpu.memref_slice %arg7[%run_scoped3A_27, %dma_wait3A, %dma_wait3A_130] : memref<2x128x128xf32, #tpu.memory_space<vmem>> -> memref<1x128x128xf32, #tpu.memory_space<vmem>>
      %dma_wait3A_132 = tpu.memref_squeeze %dma_wait3A_131 : memref<1x128x128xf32, #tpu.memory_space<vmem>> -> memref<128x128xf32, #tpu.memory_space<vmem>>
      %dma_wait3A_133 = arith.constant 0 : i32
      %dma_wait3A_134 = tpu.memref_slice %arg5[%add3A_26, %dma_wait3A_133] : memref<10240x128xf32, #tpu.memory_space<vmem_shared>> -> memref<128x128xf32, #tpu.memory_space<vmem_shared>>
      %dma_wait3A_135 = arith.constant 0 : i32
      %dma_wait3A_136 = tpu.memref_slice %arg5[%add3A_26, %dma_wait3A_135] : memref<10240x128xf32, #tpu.memory_space<vmem_shared>> -> memref<128x128xf32, #tpu.memory_space<vmem_shared>>
      %dma_wait3A_137 = arith.constant 0 : i32
      %dma_wait3A_138 = arith.constant 0 : i32
      %dma_wait3A_139 = tpu.memref_slice %arg7[%run_scoped3A_27, %dma_wait3A_137, %dma_wait3A_138] : memref<2x128x128xf32, #tpu.memory_space<vmem>> -> memref<1x128x128xf32, #tpu.memory_space<vmem>>
      %dma_wait3A_140 = tpu.memref_squeeze %dma_wait3A_139 : memref<1x128x128xf32, #tpu.memory_space<vmem>> -> memref<128x128xf32, #tpu.memory_space<vmem>>
      tpu.wait_dma2 semaphore(%run_scoped3A_117 : memref<!tpu.dma_semaphore, #tpu.memory_space<semaphore_mem>>) src(%dma_wait3A_140 : memref<128x128xf32, #tpu.memory_space<vmem>>) dst(%dma_wait3A_136 : memref<128x128xf32, #tpu.memory_space<vmem_shared>>)
      tpu.yield
    }) : () -> ()
    %mul3A_28 = arith.constant 640 : i32
    %mul3A_29 = arith.muli %arg1, %mul3A_28 : i32
    %add3A_30 = arith.constant 512 : i32
    %add3A_31 = arith.addi %mul3A_29, %add3A_30 : i32
    %run_scoped3A_32 = arith.constant 0 : i32
    "tpu.region"() ({
      %run_scoped3A_117 = tpu.sem_alloc : memref<!tpu.dma_semaphore, #tpu.memory_space<semaphore_mem>>
      %dma_start3A_118 = arith.constant 0 : i32
      %dma_start3A_119 = arith.constant 0 : i32
      %dma_start3A_120 = tpu.memref_slice %arg7[%run_scoped3A_32, %dma_start3A_118, %dma_start3A_119] : memref<2x128x128xf32, #tpu.memory_space<vmem>> -> memref<1x128x128xf32, #tpu.memory_space<vmem>>
      %dma_start3A_121 = tpu.memref_squeeze %dma_start3A_120 : memref<1x128x128xf32, #tpu.memory_space<vmem>> -> memref<128x128xf32, #tpu.memory_space<vmem>>
      %dma_start3A_122 = arith.constant 0 : i32
      %dma_start3A_123 = tpu.memref_slice %arg5[%add3A_31, %dma_start3A_122] : memref<10240x128xf32, #tpu.memory_space<vmem_shared>> -> memref<128x128xf32, #tpu.memory_space<vmem_shared>>
      %dma_start3A_124 = arith.constant 0 : i32
      %dma_start3A_125 = tpu.memref_slice %arg5[%add3A_31, %dma_start3A_124] : memref<10240x128xf32, #tpu.memory_space<vmem_shared>> -> memref<128x128xf32, #tpu.memory_space<vmem_shared>>
      %dma_start3A_126 = arith.constant 0 : i32
      %dma_start3A_127 = arith.constant 0 : i32
      %dma_start3A_128 = tpu.memref_slice %arg7[%run_scoped3A_32, %dma_start3A_126, %dma_start3A_127] : memref<2x128x128xf32, #tpu.memory_space<vmem>> -> memref<1x128x128xf32, #tpu.memory_space<vmem>>
      %dma_start3A_129 = tpu.memref_squeeze %dma_start3A_128 : memref<1x128x128xf32, #tpu.memory_space<vmem>> -> memref<128x128xf32, #tpu.memory_space<vmem>>
      tpu.enqueue_dma source(%dma_start3A_129 : memref<128x128xf32, #tpu.memory_space<vmem>>) target(%dma_start3A_125 : memref<128x128xf32, #tpu.memory_space<vmem_shared>>) target_semaphore(%run_scoped3A_117 : memref<!tpu.dma_semaphore, #tpu.memory_space<semaphore_mem>>)
      %dma_wait3A = arith.constant 0 : i32
      %dma_wait3A_130 = arith.constant 0 : i32
      %dma_wait3A_131 = tpu.memref_slice %arg7[%run_scoped3A_32, %dma_wait3A, %dma_wait3A_130] : memref<2x128x128xf32, #tpu.memory_space<vmem>> -> memref<1x128x128xf32, #tpu.memory_space<vmem>>
      %dma_wait3A_132 = tpu.memref_squeeze %dma_wait3A_131 : memref<1x128x128xf32, #tpu.memory_space<vmem>> -> memref<128x128xf32, #tpu.memory_space<vmem>>
      %dma_wait3A_133 = arith.constant 0 : i32
      %dma_wait3A_134 = tpu.memref_slice %arg5[%add3A_31, %dma_wait3A_133] : memref<10240x128xf32, #tpu.memory_space<vmem_shared>> -> memref<128x128xf32, #tpu.memory_space<vmem_shared>>
      %dma_wait3A_135 = arith.constant 0 : i32
      %dma_wait3A_136 = tpu.memref_slice %arg5[%add3A_31, %dma_wait3A_135] : memref<10240x128xf32, #tpu.memory_space<vmem_shared>> -> memref<128x128xf32, #tpu.memory_space<vmem_shared>>
      %dma_wait3A_137 = arith.constant 0 : i32
      %dma_wait3A_138 = arith.constant 0 : i32
      %dma_wait3A_139 = tpu.memref_slice %arg7[%run_scoped3A_32, %dma_wait3A_137, %dma_wait3A_138] : memref<2x128x128xf32, #tpu.memory_space<vmem>> -> memref<1x128x128xf32, #tpu.memory_space<vmem>>
      %dma_wait3A_140 = tpu.memref_squeeze %dma_wait3A_139 : memref<1x128x128xf32, #tpu.memory_space<vmem>> -> memref<128x128xf32, #tpu.memory_space<vmem>>
      tpu.wait_dma2 semaphore(%run_scoped3A_117 : memref<!tpu.dma_semaphore, #tpu.memory_space<semaphore_mem>>) src(%dma_wait3A_140 : memref<128x128xf32, #tpu.memory_space<vmem>>) dst(%dma_wait3A_136 : memref<128x128xf32, #tpu.memory_space<vmem_shared>>)
      tpu.yield
    }) : () -> ()
    %run_scoped3A_33 = arith.constant 0 : i32
    "tpu.region"() ({
      %run_scoped3A_117 = tpu.sem_alloc : memref<!tpu.dma_semaphore, #tpu.memory_space<semaphore_mem>>
      %dma_start3A_118 = arith.constant 0 : i32
      %dma_start3A_119 = arith.constant 0 : i32
      %dma_start3A_120 = tpu.memref_slice %arg6[%run_scoped3A_33, %dma_start3A_118, %dma_start3A_119] : memref<4x2x128xi32, #tpu.memory_space<vmem>> -> memref<1x2x128xi32, #tpu.memory_space<vmem>>
      %dma_start3A_121 = tpu.memref_squeeze %dma_start3A_120 : memref<1x2x128xi32, #tpu.memory_space<vmem>> -> memref<2x128xi32, #tpu.memory_space<vmem>>
      %dma_start3A_122 = arith.constant 0 : i32
      %dma_start3A_123 = arith.constant 0 : i32
      %dma_start3A_124 = tpu.memref_slice %arg3[%mul3A_2, %dma_start3A_122, %dma_start3A_123] : memref<2560x2x128xi32, #tpu.memory_space<hbm>> -> memref<1x2x128xi32, #tpu.memory_space<hbm>>
      %dma_start3A_125 = tpu.memref_squeeze %dma_start3A_124 : memref<1x2x128xi32, #tpu.memory_space<hbm>> -> memref<2x128xi32, #tpu.memory_space<hbm>>
      %dma_start3A_126 = arith.constant 0 : i32
      %dma_start3A_127 = arith.constant 0 : i32
      %dma_start3A_128 = tpu.memref_slice %arg6[%run_scoped3A_33, %dma_start3A_126, %dma_start3A_127] : memref<4x2x128xi32, #tpu.memory_space<vmem>> -> memref<1x2x128xi32, #tpu.memory_space<vmem>>
      %dma_start3A_129 = tpu.memref_squeeze %dma_start3A_128 : memref<1x2x128xi32, #tpu.memory_space<vmem>> -> memref<2x128xi32, #tpu.memory_space<vmem>>
      %dma_start3A_130 = arith.constant 0 : i32
      %dma_start3A_131 = arith.constant 0 : i32
      %dma_start3A_132 = tpu.memref_slice %arg3[%mul3A_2, %dma_start3A_130, %dma_start3A_131] : memref<2560x2x128xi32, #tpu.memory_space<hbm>> -> memref<1x2x128xi32, #tpu.memory_space<hbm>>
      %dma_start3A_133 = tpu.memref_squeeze %dma_start3A_132 : memref<1x2x128xi32, #tpu.memory_space<hbm>> -> memref<2x128xi32, #tpu.memory_space<hbm>>
      tpu.enqueue_dma source(%dma_start3A_133 : memref<2x128xi32, #tpu.memory_space<hbm>>) target(%dma_start3A_129 : memref<2x128xi32, #tpu.memory_space<vmem>>) target_semaphore(%run_scoped3A_117 : memref<!tpu.dma_semaphore, #tpu.memory_space<semaphore_mem>>)
      %dma_wait3A = arith.constant 0 : i32
      %dma_wait3A_134 = arith.constant 0 : i32
      %dma_wait3A_135 = tpu.memref_slice %arg6[%run_scoped3A_33, %dma_wait3A, %dma_wait3A_134] : memref<4x2x128xi32, #tpu.memory_space<vmem>> -> memref<1x2x128xi32, #tpu.memory_space<vmem>>
      %dma_wait3A_136 = tpu.memref_squeeze %dma_wait3A_135 : memref<1x2x128xi32, #tpu.memory_space<vmem>> -> memref<2x128xi32, #tpu.memory_space<vmem>>
      %dma_wait3A_137 = arith.constant 0 : i32
      %dma_wait3A_138 = arith.constant 0 : i32
      %dma_wait3A_139 = tpu.memref_slice %arg3[%mul3A_2, %dma_wait3A_137, %dma_wait3A_138] : memref<2560x2x128xi32, #tpu.memory_space<hbm>> -> memref<1x2x128xi32, #tpu.memory_space<hbm>>
      %dma_wait3A_140 = tpu.memref_squeeze %dma_wait3A_139 : memref<1x2x128xi32, #tpu.memory_space<hbm>> -> memref<2x128xi32, #tpu.memory_space<hbm>>
      %dma_wait3A_141 = arith.constant 0 : i32
      %dma_wait3A_142 = arith.constant 0 : i32
      %dma_wait3A_143 = tpu.memref_slice %arg6[%run_scoped3A_33, %dma_wait3A_141, %dma_wait3A_142] : memref<4x2x128xi32, #tpu.memory_space<vmem>> -> memref<1x2x128xi32, #tpu.memory_space<vmem>>
      %dma_wait3A_144 = tpu.memref_squeeze %dma_wait3A_143 : memref<1x2x128xi32, #tpu.memory_space<vmem>> -> memref<2x128xi32, #tpu.memory_space<vmem>>
      %dma_wait3A_145 = arith.constant 0 : i32
      %dma_wait3A_146 = arith.constant 0 : i32
      %dma_wait3A_147 = tpu.memref_slice %arg3[%mul3A_2, %dma_wait3A_145, %dma_wait3A_146] : memref<2560x2x128xi32, #tpu.memory_space<hbm>> -> memref<1x2x128xi32, #tpu.memory_space<hbm>>
      %dma_wait3A_148 = tpu.memref_squeeze %dma_wait3A_147 : memref<1x2x128xi32, #tpu.memory_space<hbm>> -> memref<2x128xi32, #tpu.memory_space<hbm>>
      tpu.wait_dma2 semaphore(%run_scoped3A_117 : memref<!tpu.dma_semaphore, #tpu.memory_space<semaphore_mem>>) src(%dma_wait3A_148 : memref<2x128xi32, #tpu.memory_space<hbm>>) dst(%dma_wait3A_144 : memref<2x128xi32, #tpu.memory_space<vmem>>)
      tpu.yield
    }) : () -> ()
    %dma_start3A = arith.constant 0 : i32
    %dma_start3A_34 = arith.constant 0 : i32
    %dma_start3A_35 = arith.constant 0 : i32
    %dma_start3A_36 = arith.constant 0 : i32
    %dma_start3A_37 = arith.constant 0 : i32
    %dma_start3A_38 = tpu.memref_slice %arg7[%dma_start3A_35, %dma_start3A_36, %dma_start3A_37] : memref<2x128x128xf32, #tpu.memory_space<vmem>> -> memref<1x128x128xf32, #tpu.memory_space<vmem>>
    %dma_start3A_39 = tpu.memref_squeeze %dma_start3A_38 : memref<1x128x128xf32, #tpu.memory_space<vmem>> -> memref<128x128xf32, #tpu.memory_space<vmem>>
    %dma_start3A_40 = arith.constant 0 : i32
    %dma_start3A_41 = tpu.memref_slice %arg6[%dma_start3A, %dma_start3A_34, %dma_start3A_40] : memref<4x2x128xi32, #tpu.memory_space<vmem>> -> memref<1x1x128xi32, #tpu.memory_space<vmem>>
    %dma_start3A_42 = tpu.memref_squeeze %dma_start3A_41 : memref<1x1x128xi32, #tpu.memory_space<vmem>> -> memref<128xi32, #tpu.memory_space<vmem>>
    %dma_start3A_43 = arith.constant 0 : i32
    %dma_start3A_44 = arith.constant 0 : i32
    %dma_start3A_45 = tpu.memref_slice %arg2[%dma_start3A_43, %dma_start3A_44] : memref<10000x128xf32, #tpu.memory_space<hbm>> -> memref<10000x128xf32, #tpu.memory_space<hbm>>
    tpu.enqueue_indirect_dma source(%dma_start3A_45 : memref<10000x128xf32, #tpu.memory_space<hbm>>) target(%dma_start3A_39 : memref<128x128xf32, #tpu.memory_space<vmem>>) offsets(%dma_start3A_42 : memref<128xi32, #tpu.memory_space<vmem>>) semaphore(%arg8 : memref<!tpu.dma_semaphore, #tpu.memory_space<semaphore_mem>>)
    %add3A_46 = arith.constant 1 : i32
    %add3A_47 = arith.addi %mul3A_2, %add3A_46 : i32
    %dma_start3A_48 = arith.constant 1 : i32
    %dma_start3A_49 = arith.constant 0 : i32
    %dma_start3A_50 = arith.constant 0 : i32
    %dma_start3A_51 = tpu.memref_slice %arg6[%dma_start3A_48, %dma_start3A_49, %dma_start3A_50] : memref<4x2x128xi32, #tpu.memory_space<vmem>> -> memref<1x2x128xi32, #tpu.memory_space<vmem>>
    %dma_start3A_52 = tpu.memref_squeeze %dma_start3A_51 : memref<1x2x128xi32, #tpu.memory_space<vmem>> -> memref<2x128xi32, #tpu.memory_space<vmem>>
    %dma_start3A_53 = arith.constant 0 : i32
    %dma_start3A_54 = arith.constant 0 : i32
    %dma_start3A_55 = tpu.memref_slice %arg3[%add3A_47, %dma_start3A_53, %dma_start3A_54] : memref<2560x2x128xi32, #tpu.memory_space<hbm>> -> memref<1x2x128xi32, #tpu.memory_space<hbm>>
    %dma_start3A_56 = tpu.memref_squeeze %dma_start3A_55 : memref<1x2x128xi32, #tpu.memory_space<hbm>> -> memref<2x128xi32, #tpu.memory_space<hbm>>
    %dma_start3A_57 = arith.constant 0 : i32
    %dma_start3A_58 = arith.constant 0 : i32
    %dma_start3A_59 = tpu.memref_slice %arg6[%dma_start3A_48, %dma_start3A_57, %dma_start3A_58] : memref<4x2x128xi32, #tpu.memory_space<vmem>> -> memref<1x2x128xi32, #tpu.memory_space<vmem>>
    %dma_start3A_60 = tpu.memref_squeeze %dma_start3A_59 : memref<1x2x128xi32, #tpu.memory_space<vmem>> -> memref<2x128xi32, #tpu.memory_space<vmem>>
    %dma_start3A_61 = arith.constant 0 : i32
    %dma_start3A_62 = arith.constant 0 : i32
    %dma_start3A_63 = tpu.memref_slice %arg3[%add3A_47, %dma_start3A_61, %dma_start3A_62] : memref<2560x2x128xi32, #tpu.memory_space<hbm>> -> memref<1x2x128xi32, #tpu.memory_space<hbm>>
    %dma_start3A_64 = tpu.memref_squeeze %dma_start3A_63 : memref<1x2x128xi32, #tpu.memory_space<hbm>> -> memref<2x128xi32, #tpu.memory_space<hbm>>
    tpu.enqueue_dma source(%dma_start3A_64 : memref<2x128xi32, #tpu.memory_space<hbm>>) target(%dma_start3A_60 : memref<2x128xi32, #tpu.memory_space<vmem>>) target_semaphore(%arg11 : memref<!tpu.dma_semaphore, #tpu.memory_space<semaphore_mem>>)
    %add3A_65 = arith.constant 2 : i32
    %add3A_66 = arith.addi %mul3A_2, %add3A_65 : i32
    %dma_start3A_67 = arith.constant 2 : i32
    %dma_start3A_68 = arith.constant 0 : i32
    %dma_start3A_69 = arith.constant 0 : i32
    %dma_start3A_70 = tpu.memref_slice %arg6[%dma_start3A_67, %dma_start3A_68, %dma_start3A_69] : memref<4x2x128xi32, #tpu.memory_space<vmem>> -> memref<1x2x128xi32, #tpu.memory_space<vmem>>
    %dma_start3A_71 = tpu.memref_squeeze %dma_start3A_70 : memref<1x2x128xi32, #tpu.memory_space<vmem>> -> memref<2x128xi32, #tpu.memory_space<vmem>>
    %dma_start3A_72 = arith.constant 0 : i32
    %dma_start3A_73 = arith.constant 0 : i32
    %dma_start3A_74 = tpu.memref_slice %arg3[%add3A_66, %dma_start3A_72, %dma_start3A_73] : memref<2560x2x128xi32, #tpu.memory_space<hbm>> -> memref<1x2x128xi32, #tpu.memory_space<hbm>>
    %dma_start3A_75 = tpu.memref_squeeze %dma_start3A_74 : memref<1x2x128xi32, #tpu.memory_space<hbm>> -> memref<2x128xi32, #tpu.memory_space<hbm>>
    %dma_start3A_76 = arith.constant 0 : i32
    %dma_start3A_77 = arith.constant 0 : i32
    %dma_start3A_78 = tpu.memref_slice %arg6[%dma_start3A_67, %dma_start3A_76, %dma_start3A_77] : memref<4x2x128xi32, #tpu.memory_space<vmem>> -> memref<1x2x128xi32, #tpu.memory_space<vmem>>
    %dma_start3A_79 = tpu.memref_squeeze %dma_start3A_78 : memref<1x2x128xi32, #tpu.memory_space<vmem>> -> memref<2x128xi32, #tpu.memory_space<vmem>>
    %dma_start3A_80 = arith.constant 0 : i32
    %dma_start3A_81 = arith.constant 0 : i32
    %dma_start3A_82 = tpu.memref_slice %arg3[%add3A_66, %dma_start3A_80, %dma_start3A_81] : memref<2560x2x128xi32, #tpu.memory_space<hbm>> -> memref<1x2x128xi32, #tpu.memory_space<hbm>>
    %dma_start3A_83 = tpu.memref_squeeze %dma_start3A_82 : memref<1x2x128xi32, #tpu.memory_space<hbm>> -> memref<2x128xi32, #tpu.memory_space<hbm>>
    tpu.enqueue_dma source(%dma_start3A_83 : memref<2x128xi32, #tpu.memory_space<hbm>>) target(%dma_start3A_79 : memref<2x128xi32, #tpu.memory_space<vmem>>) target_semaphore(%arg12 : memref<!tpu.dma_semaphore, #tpu.memory_space<semaphore_mem>>)
    %add3A_84 = arith.constant 3 : i32
    %add3A_85 = arith.addi %mul3A_2, %add3A_84 : i32
    %dma_start3A_86 = arith.constant 3 : i32
    %dma_start3A_87 = arith.constant 0 : i32
    %dma_start3A_88 = arith.constant 0 : i32
    %dma_start3A_89 = tpu.memref_slice %arg6[%dma_start3A_86, %dma_start3A_87, %dma_start3A_88] : memref<4x2x128xi32, #tpu.memory_space<vmem>> -> memref<1x2x128xi32, #tpu.memory_space<vmem>>
    %dma_start3A_90 = tpu.memref_squeeze %dma_start3A_89 : memref<1x2x128xi32, #tpu.memory_space<vmem>> -> memref<2x128xi32, #tpu.memory_space<vmem>>
    %dma_start3A_91 = arith.constant 0 : i32
    %dma_start3A_92 = arith.constant 0 : i32
    %dma_start3A_93 = tpu.memref_slice %arg3[%add3A_85, %dma_start3A_91, %dma_start3A_92] : memref<2560x2x128xi32, #tpu.memory_space<hbm>> -> memref<1x2x128xi32, #tpu.memory_space<hbm>>
    %dma_start3A_94 = tpu.memref_squeeze %dma_start3A_93 : memref<1x2x128xi32, #tpu.memory_space<hbm>> -> memref<2x128xi32, #tpu.memory_space<hbm>>
    %dma_start3A_95 = arith.constant 0 : i32
    %dma_start3A_96 = arith.constant 0 : i32
    %dma_start3A_97 = tpu.memref_slice %arg6[%dma_start3A_86, %dma_start3A_95, %dma_start3A_96] : memref<4x2x128xi32, #tpu.memory_space<vmem>> -> memref<1x2x128xi32, #tpu.memory_space<vmem>>
    %dma_start3A_98 = tpu.memref_squeeze %dma_start3A_97 : memref<1x2x128xi32, #tpu.memory_space<vmem>> -> memref<2x128xi32, #tpu.memory_space<vmem>>
    %dma_start3A_99 = arith.constant 0 : i32
    %dma_start3A_100 = arith.constant 0 : i32
    %dma_start3A_101 = tpu.memref_slice %arg3[%add3A_85, %dma_start3A_99, %dma_start3A_100] : memref<2560x2x128xi32, #tpu.memory_space<hbm>> -> memref<1x2x128xi32, #tpu.memory_space<hbm>>
    %dma_start3A_102 = tpu.memref_squeeze %dma_start3A_101 : memref<1x2x128xi32, #tpu.memory_space<hbm>> -> memref<2x128xi32, #tpu.memory_space<hbm>>
    tpu.enqueue_dma source(%dma_start3A_102 : memref<2x128xi32, #tpu.memory_space<hbm>>) target(%dma_start3A_98 : memref<2x128xi32, #tpu.memory_space<vmem>>) target_semaphore(%arg13 : memref<!tpu.dma_semaphore, #tpu.memory_space<semaphore_mem>>)
    %barrier3A = arith.constant 0 : index
    tpu.barrier barrier_id(%barrier3A)
    %scan3A_103 = arith.constant 0 : i32
    %scan3A_104 = arith.constant 0 : i32
    %scan3A_105 = arith.constant 20 : i32
    %scan3A_106 = arith.addi %scan3A_104, %scan3A_105 : i32
    %scan3A_107 = arith.constant 1 : i32
    %scan3A_108 = scf.for %scan3A_117 = %scan3A_104 to %scan3A_106 step %scan3A_107 iter_args(%scan3A_118 = %scan3A_103) -> (i32)  : i32 {
      %mul3A_119 = arith.constant 4 : i32
      %mul3A_120 = arith.muli %mul3A_119, %scan3A_117 : i32
      %add3A_121 = arith.constant 0 : i32
      %add3A_122 = arith.addi %mul3A_120, %add3A_121 : i32
      %add3A_123 = arith.constant 1 : i32
      %add3A_124 = arith.addi %add3A_122, %add3A_123 : i32
      %lt3A = arith.constant 80 : i32
      %lt3A_125 = arith.cmpi slt, %add3A_124, %lt3A : i32
      %convert_element_type3A_126 = arith.extui %lt3A_125 : i1 to i32
      %cond3A_127 = arith.constant 0 : i32
      %cond3A_128 = arith.cmpi ne, %convert_element_type3A_126, %cond3A_127 : i32
      scf.if %cond3A_128 {
        %dma_wait3A_262 = arith.constant 1 : i32
        %dma_wait3A_263 = arith.constant 0 : i32
        %dma_wait3A_264 = arith.constant 0 : i32
        %dma_wait3A_265 = tpu.memref_slice %arg6[%dma_wait3A_262, %dma_wait3A_263, %dma_wait3A_264] : memref<4x2x128xi32, #tpu.memory_space<vmem>> -> memref<1x2x128xi32, #tpu.memory_space<vmem>>
        %dma_wait3A_266 = tpu.memref_squeeze %dma_wait3A_265 : memref<1x2x128xi32, #tpu.memory_space<vmem>> -> memref<2x128xi32, #tpu.memory_space<vmem>>
        %dma_wait3A_267 = arith.constant 0 : i32
        %dma_wait3A_268 = arith.constant 0 : i32
        %dma_wait3A_269 = tpu.memref_slice %arg3[%mul3A_2, %dma_wait3A_267, %dma_wait3A_268] : memref<2560x2x128xi32, #tpu.memory_space<hbm>> -> memref<1x2x128xi32, #tpu.memory_space<hbm>>
        %dma_wait3A_270 = tpu.memref_squeeze %dma_wait3A_269 : memref<1x2x128xi32, #tpu.memory_space<hbm>> -> memref<2x128xi32, #tpu.memory_space<hbm>>
        %dma_wait3A_271 = arith.constant 0 : i32
        %dma_wait3A_272 = arith.constant 0 : i32
        %dma_wait3A_273 = tpu.memref_slice %arg6[%dma_wait3A_262, %dma_wait3A_271, %dma_wait3A_272] : memref<4x2x128xi32, #tpu.memory_space<vmem>> -> memref<1x2x128xi32, #tpu.memory_space<vmem>>
        %dma_wait3A_274 = tpu.memref_squeeze %dma_wait3A_273 : memref<1x2x128xi32, #tpu.memory_space<vmem>> -> memref<2x128xi32, #tpu.memory_space<vmem>>
        %dma_wait3A_275 = arith.constant 0 : i32
        %dma_wait3A_276 = arith.constant 0 : i32
        %dma_wait3A_277 = tpu.memref_slice %arg3[%mul3A_2, %dma_wait3A_275, %dma_wait3A_276] : memref<2560x2x128xi32, #tpu.memory_space<hbm>> -> memref<1x2x128xi32, #tpu.memory_space<hbm>>
        %dma_wait3A_278 = tpu.memref_squeeze %dma_wait3A_277 : memref<1x2x128xi32, #tpu.memory_space<hbm>> -> memref<2x128xi32, #tpu.memory_space<hbm>>
        tpu.wait_dma2 semaphore(%arg11 : memref<!tpu.dma_semaphore, #tpu.memory_space<semaphore_mem>>) src(%dma_wait3A_278 : memref<2x128xi32, #tpu.memory_space<hbm>>) dst(%dma_wait3A_274 : memref<2x128xi32, #tpu.memory_space<vmem>>)
        %dma_start3A_279 = arith.constant 1 : i32
        %dma_start3A_280 = arith.constant 0 : i32
        %dma_start3A_281 = arith.constant 1 : i32
        %dma_start3A_282 = arith.constant 0 : i32
        %dma_start3A_283 = arith.constant 0 : i32
        %dma_start3A_284 = tpu.memref_slice %arg7[%dma_start3A_281, %dma_start3A_282, %dma_start3A_283] : memref<2x128x128xf32, #tpu.memory_space<vmem>> -> memref<1x128x128xf32, #tpu.memory_space<vmem>>
        %dma_start3A_285 = tpu.memref_squeeze %dma_start3A_284 : memref<1x128x128xf32, #tpu.memory_space<vmem>> -> memref<128x128xf32, #tpu.memory_space<vmem>>
        %dma_start3A_286 = arith.constant 0 : i32
        %dma_start3A_287 = tpu.memref_slice %arg6[%dma_start3A_279, %dma_start3A_280, %dma_start3A_286] : memref<4x2x128xi32, #tpu.memory_space<vmem>> -> memref<1x1x128xi32, #tpu.memory_space<vmem>>
        %dma_start3A_288 = tpu.memref_squeeze %dma_start3A_287 : memref<1x1x128xi32, #tpu.memory_space<vmem>> -> memref<128xi32, #tpu.memory_space<vmem>>
        %dma_start3A_289 = arith.constant 0 : i32
        %dma_start3A_290 = arith.constant 0 : i32
        %dma_start3A_291 = tpu.memref_slice %arg2[%dma_start3A_289, %dma_start3A_290] : memref<10000x128xf32, #tpu.memory_space<hbm>> -> memref<10000x128xf32, #tpu.memory_space<hbm>>
        tpu.enqueue_indirect_dma source(%dma_start3A_291 : memref<10000x128xf32, #tpu.memory_space<hbm>>) target(%dma_start3A_285 : memref<128x128xf32, #tpu.memory_space<vmem>>) offsets(%dma_start3A_288 : memref<128xi32, #tpu.memory_space<vmem>>) semaphore(%arg9 : memref<!tpu.dma_semaphore, #tpu.memory_space<semaphore_mem>>)
      } else {
      }
      %dma_wait3A = arith.constant 0 : i32
      %dma_wait3A_129 = arith.constant 0 : i32
      %dma_wait3A_130 = arith.constant 0 : i32
      %dma_wait3A_131 = tpu.memref_slice %arg7[%dma_wait3A, %dma_wait3A_129, %dma_wait3A_130] : memref<2x128x128xf32, #tpu.memory_space<vmem>> -> memref<1x128x128xf32, #tpu.memory_space<vmem>>
      %dma_wait3A_132 = tpu.memref_squeeze %dma_wait3A_131 : memref<1x128x128xf32, #tpu.memory_space<vmem>> -> memref<128x128xf32, #tpu.memory_space<vmem>>
      %dma_wait3A_133 = arith.constant 0 : i32
      %dma_wait3A_134 = arith.constant 0 : i32
      %dma_wait3A_135 = tpu.memref_slice %arg2[%dma_wait3A_133, %dma_wait3A_134] : memref<10000x128xf32, #tpu.memory_space<hbm>> -> memref<128x128xf32, #tpu.memory_space<hbm>>
      %dma_wait3A_136 = arith.constant 0 : i32
      %dma_wait3A_137 = arith.constant 0 : i32
      %dma_wait3A_138 = tpu.memref_slice %arg7[%dma_wait3A, %dma_wait3A_136, %dma_wait3A_137] : memref<2x128x128xf32, #tpu.memory_space<vmem>> -> memref<1x128x128xf32, #tpu.memory_space<vmem>>
      %dma_wait3A_139 = tpu.memref_squeeze %dma_wait3A_138 : memref<1x128x128xf32, #tpu.memory_space<vmem>> -> memref<128x128xf32, #tpu.memory_space<vmem>>
      %dma_wait3A_140 = arith.constant 0 : i32
      %dma_wait3A_141 = arith.constant 0 : i32
      %dma_wait3A_142 = tpu.memref_slice %arg2[%dma_wait3A_140, %dma_wait3A_141] : memref<10000x128xf32, #tpu.memory_space<hbm>> -> memref<128x128xf32, #tpu.memory_space<hbm>>
      tpu.wait_dma2 semaphore(%arg8 : memref<!tpu.dma_semaphore, #tpu.memory_space<semaphore_mem>>) src(%dma_wait3A_142 : memref<128x128xf32, #tpu.memory_space<hbm>>) dst(%dma_wait3A_139 : memref<128x128xf32, #tpu.memory_space<vmem>>)
      %run_scoped3A_143 = arith.constant 0 : i32
      %run_scoped3A_144 = arith.constant 0 : i32
      %run_scoped3A_145 = arith.constant 1 : i32
      "tpu.region"() ({
        %run_scoped3A_262 = tpu.sem_alloc : memref<!tpu.dma_semaphore, #tpu.memory_space<semaphore_mem>>
        %dma_start3A_263 = arith.constant 0 : i32
        %dma_start3A_264 = arith.constant 0 : i32
        %dma_start3A_265 = tpu.memref_slice %arg7[%run_scoped3A_143, %dma_start3A_263, %dma_start3A_264] : memref<2x128x128xf32, #tpu.memory_space<vmem>> -> memref<1x128x128xf32, #tpu.memory_space<vmem>>
        %dma_start3A_266 = tpu.memref_squeeze %dma_start3A_265 : memref<1x128x128xf32, #tpu.memory_space<vmem>> -> memref<128x128xf32, #tpu.memory_space<vmem>>
        %dma_start3A_267 = arith.constant 0 : i32
        %dma_start3A_268 = tpu.memref_slice %arg6[%run_scoped3A_144, %run_scoped3A_145, %dma_start3A_267] : memref<4x2x128xi32, #tpu.memory_space<vmem>> -> memref<1x1x128xi32, #tpu.memory_space<vmem>>
        %dma_start3A_269 = tpu.memref_squeeze %dma_start3A_268 : memref<1x1x128xi32, #tpu.memory_space<vmem>> -> memref<128xi32, #tpu.memory_space<vmem>>
        %dma_start3A_270 = arith.constant 0 : i32
        %dma_start3A_271 = arith.constant 0 : i32
        %dma_start3A_272 = tpu.memref_slice %arg5[%dma_start3A_270, %dma_start3A_271] : memref<10240x128xf32, #tpu.memory_space<vmem_shared>> -> memref<10240x128xf32, #tpu.memory_space<vmem_shared>>
        tpu.enqueue_indirect_dma source(%dma_start3A_266 : memref<128x128xf32, #tpu.memory_space<vmem>>) target(%dma_start3A_272 : memref<10240x128xf32, #tpu.memory_space<vmem_shared>>) offsets(%dma_start3A_269 : memref<128xi32, #tpu.memory_space<vmem>>) semaphore(%run_scoped3A_262 : memref<!tpu.dma_semaphore, #tpu.memory_space<semaphore_mem>>) {add = true}
        %dma_wait3A_273 = arith.constant 0 : i32
        %dma_wait3A_274 = arith.constant 0 : i32
        %dma_wait3A_275 = tpu.memref_slice %arg7[%run_scoped3A_143, %dma_wait3A_273, %dma_wait3A_274] : memref<2x128x128xf32, #tpu.memory_space<vmem>> -> memref<1x128x128xf32, #tpu.memory_space<vmem>>
        %dma_wait3A_276 = tpu.memref_squeeze %dma_wait3A_275 : memref<1x128x128xf32, #tpu.memory_space<vmem>> -> memref<128x128xf32, #tpu.memory_space<vmem>>
        %dma_wait3A_277 = arith.constant 0 : i32
        %dma_wait3A_278 = tpu.memref_slice %arg6[%run_scoped3A_144, %run_scoped3A_145, %dma_wait3A_277] : memref<4x2x128xi32, #tpu.memory_space<vmem>> -> memref<1x1x128xi32, #tpu.memory_space<vmem>>
        %dma_wait3A_279 = tpu.memref_squeeze %dma_wait3A_278 : memref<1x1x128xi32, #tpu.memory_space<vmem>> -> memref<128xi32, #tpu.memory_space<vmem>>
        %dma_wait3A_280 = arith.constant 0 : i32
        %dma_wait3A_281 = arith.constant 0 : i32
        %dma_wait3A_282 = tpu.memref_slice %arg5[%dma_wait3A_280, %dma_wait3A_281] : memref<10240x128xf32, #tpu.memory_space<vmem_shared>> -> memref<10240x128xf32, #tpu.memory_space<vmem_shared>>
        tpu.wait_indirect_dma semaphore(%run_scoped3A_262 : memref<!tpu.dma_semaphore, #tpu.memory_space<semaphore_mem>>) src(%dma_wait3A_276 : memref<128x128xf32, #tpu.memory_space<vmem>>) dst(%dma_wait3A_282 : memref<10240x128xf32, #tpu.memory_space<vmem_shared>>)
        tpu.yield
      }) : () -> ()
      %add3A_146 = arith.constant 4 : i32
      %add3A_147 = arith.addi %add3A_122, %add3A_146 : i32
      %lt3A_148 = arith.constant 80 : i32
      %lt3A_149 = arith.cmpi slt, %add3A_147, %lt3A_148 : i32
      %convert_element_type3A_150 = arith.extui %lt3A_149 : i1 to i32
      %cond3A_151 = arith.constant 0 : i32
      %cond3A_152 = arith.cmpi ne, %convert_element_type3A_150, %cond3A_151 : i32
      scf.if %cond3A_152 {
        %add3A_262 = arith.addi %mul3A_2, %add3A_122 : i32
        %add3A_263 = arith.constant 4 : i32
        %add3A_264 = arith.addi %add3A_262, %add3A_263 : i32
        %dma_start3A_265 = arith.constant 0 : i32
        %dma_start3A_266 = arith.constant 0 : i32
        %dma_start3A_267 = arith.constant 0 : i32
        %dma_start3A_268 = tpu.memref_slice %arg6[%dma_start3A_265, %dma_start3A_266, %dma_start3A_267] : memref<4x2x128xi32, #tpu.memory_space<vmem>> -> memref<1x2x128xi32, #tpu.memory_space<vmem>>
        %dma_start3A_269 = tpu.memref_squeeze %dma_start3A_268 : memref<1x2x128xi32, #tpu.memory_space<vmem>> -> memref<2x128xi32, #tpu.memory_space<vmem>>
        %dma_start3A_270 = arith.constant 0 : i32
        %dma_start3A_271 = arith.constant 0 : i32
        %dma_start3A_272 = tpu.memref_slice %arg3[%add3A_264, %dma_start3A_270, %dma_start3A_271] : memref<2560x2x128xi32, #tpu.memory_space<hbm>> -> memref<1x2x128xi32, #tpu.memory_space<hbm>>
        %dma_start3A_273 = tpu.memref_squeeze %dma_start3A_272 : memref<1x2x128xi32, #tpu.memory_space<hbm>> -> memref<2x128xi32, #tpu.memory_space<hbm>>
        %dma_start3A_274 = arith.constant 0 : i32
        %dma_start3A_275 = arith.constant 0 : i32
        %dma_start3A_276 = tpu.memref_slice %arg6[%dma_start3A_265, %dma_start3A_274, %dma_start3A_275] : memref<4x2x128xi32, #tpu.memory_space<vmem>> -> memref<1x2x128xi32, #tpu.memory_space<vmem>>
        %dma_start3A_277 = tpu.memref_squeeze %dma_start3A_276 : memref<1x2x128xi32, #tpu.memory_space<vmem>> -> memref<2x128xi32, #tpu.memory_space<vmem>>
        %dma_start3A_278 = arith.constant 0 : i32
        %dma_start3A_279 = arith.constant 0 : i32
        %dma_start3A_280 = tpu.memref_slice %arg3[%add3A_264, %dma_start3A_278, %dma_start3A_279] : memref<2560x2x128xi32, #tpu.memory_space<hbm>> -> memref<1x2x128xi32, #tpu.memory_space<hbm>>
        %dma_start3A_281 = tpu.memref_squeeze %dma_start3A_280 : memref<1x2x128xi32, #tpu.memory_space<hbm>> -> memref<2x128xi32, #tpu.memory_space<hbm>>
        tpu.enqueue_dma source(%dma_start3A_281 : memref<2x128xi32, #tpu.memory_space<hbm>>) target(%dma_start3A_277 : memref<2x128xi32, #tpu.memory_space<vmem>>) target_semaphore(%arg10 : memref<!tpu.dma_semaphore, #tpu.memory_space<semaphore_mem>>)
      } else {
      }
      %mul3A_153 = arith.constant 4 : i32
      %mul3A_154 = arith.muli %mul3A_153, %scan3A_117 : i32
      %add3A_155 = arith.constant 1 : i32
      %add3A_156 = arith.addi %mul3A_154, %add3A_155 : i32
      %add3A_157 = arith.constant 1 : i32
      %add3A_158 = arith.addi %add3A_156, %add3A_157 : i32
      %lt3A_159 = arith.constant 80 : i32
      %lt3A_160 = arith.cmpi slt, %add3A_158, %lt3A_159 : i32
      %convert_element_type3A_161 = arith.extui %lt3A_160 : i1 to i32
      %cond3A_162 = arith.constant 0 : i32
      %cond3A_163 = arith.cmpi ne, %convert_element_type3A_161, %cond3A_162 : i32
      scf.if %cond3A_163 {
        %dma_wait3A_262 = arith.constant 2 : i32
        %dma_wait3A_263 = arith.constant 0 : i32
        %dma_wait3A_264 = arith.constant 0 : i32
        %dma_wait3A_265 = tpu.memref_slice %arg6[%dma_wait3A_262, %dma_wait3A_263, %dma_wait3A_264] : memref<4x2x128xi32, #tpu.memory_space<vmem>> -> memref<1x2x128xi32, #tpu.memory_space<vmem>>
        %dma_wait3A_266 = tpu.memref_squeeze %dma_wait3A_265 : memref<1x2x128xi32, #tpu.memory_space<vmem>> -> memref<2x128xi32, #tpu.memory_space<vmem>>
        %dma_wait3A_267 = arith.constant 0 : i32
        %dma_wait3A_268 = arith.constant 0 : i32
        %dma_wait3A_269 = tpu.memref_slice %arg3[%mul3A_2, %dma_wait3A_267, %dma_wait3A_268] : memref<2560x2x128xi32, #tpu.memory_space<hbm>> -> memref<1x2x128xi32, #tpu.memory_space<hbm>>
        %dma_wait3A_270 = tpu.memref_squeeze %dma_wait3A_269 : memref<1x2x128xi32, #tpu.memory_space<hbm>> -> memref<2x128xi32, #tpu.memory_space<hbm>>
        %dma_wait3A_271 = arith.constant 0 : i32
        %dma_wait3A_272 = arith.constant 0 : i32
        %dma_wait3A_273 = tpu.memref_slice %arg6[%dma_wait3A_262, %dma_wait3A_271, %dma_wait3A_272] : memref<4x2x128xi32, #tpu.memory_space<vmem>> -> memref<1x2x128xi32, #tpu.memory_space<vmem>>
        %dma_wait3A_274 = tpu.memref_squeeze %dma_wait3A_273 : memref<1x2x128xi32, #tpu.memory_space<vmem>> -> memref<2x128xi32, #tpu.memory_space<vmem>>
        %dma_wait3A_275 = arith.constant 0 : i32
        %dma_wait3A_276 = arith.constant 0 : i32
        %dma_wait3A_277 = tpu.memref_slice %arg3[%mul3A_2, %dma_wait3A_275, %dma_wait3A_276] : memref<2560x2x128xi32, #tpu.memory_space<hbm>> -> memref<1x2x128xi32, #tpu.memory_space<hbm>>
        %dma_wait3A_278 = tpu.memref_squeeze %dma_wait3A_277 : memref<1x2x128xi32, #tpu.memory_space<hbm>> -> memref<2x128xi32, #tpu.memory_space<hbm>>
        tpu.wait_dma2 semaphore(%arg12 : memref<!tpu.dma_semaphore, #tpu.memory_space<semaphore_mem>>) src(%dma_wait3A_278 : memref<2x128xi32, #tpu.memory_space<hbm>>) dst(%dma_wait3A_274 : memref<2x128xi32, #tpu.memory_space<vmem>>)
        %dma_start3A_279 = arith.constant 2 : i32
        %dma_start3A_280 = arith.constant 0 : i32
        %dma_start3A_281 = arith.constant 0 : i32
        %dma_start3A_282 = arith.constant 0 : i32
        %dma_start3A_283 = arith.constant 0 : i32
        %dma_start3A_284 = tpu.memref_slice %arg7[%dma_start3A_281, %dma_start3A_282, %dma_start3A_283] : memref<2x128x128xf32, #tpu.memory_space<vmem>> -> memref<1x128x128xf32, #tpu.memory_space<vmem>>
        %dma_start3A_285 = tpu.memref_squeeze %dma_start3A_284 : memref<1x128x128xf32, #tpu.memory_space<vmem>> -> memref<128x128xf32, #tpu.memory_space<vmem>>
        %dma_start3A_286 = arith.constant 0 : i32
        %dma_start3A_287 = tpu.memref_slice %arg6[%dma_start3A_279, %dma_start3A_280, %dma_start3A_286] : memref<4x2x128xi32, #tpu.memory_space<vmem>> -> memref<1x1x128xi32, #tpu.memory_space<vmem>>
        %dma_start3A_288 = tpu.memref_squeeze %dma_start3A_287 : memref<1x1x128xi32, #tpu.memory_space<vmem>> -> memref<128xi32, #tpu.memory_space<vmem>>
        %dma_start3A_289 = arith.constant 0 : i32
        %dma_start3A_290 = arith.constant 0 : i32
        %dma_start3A_291 = tpu.memref_slice %arg2[%dma_start3A_289, %dma_start3A_290] : memref<10000x128xf32, #tpu.memory_space<hbm>> -> memref<10000x128xf32, #tpu.memory_space<hbm>>
        tpu.enqueue_indirect_dma source(%dma_start3A_291 : memref<10000x128xf32, #tpu.memory_space<hbm>>) target(%dma_start3A_285 : memref<128x128xf32, #tpu.memory_space<vmem>>) offsets(%dma_start3A_288 : memref<128xi32, #tpu.memory_space<vmem>>) semaphore(%arg8 : memref<!tpu.dma_semaphore, #tpu.memory_space<semaphore_mem>>)
      } else {
      }
      %dma_wait3A_164 = arith.constant 1 : i32
      %dma_wait3A_165 = arith.constant 0 : i32
      %dma_wait3A_166 = arith.constant 0 : i32
      %dma_wait3A_167 = tpu.memref_slice %arg7[%dma_wait3A_164, %dma_wait3A_165, %dma_wait3A_166] : memref<2x128x128xf32, #tpu.memory_space<vmem>> -> memref<1x128x128xf32, #tpu.memory_space<vmem>>
      %dma_wait3A_168 = tpu.memref_squeeze %dma_wait3A_167 : memref<1x128x128xf32, #tpu.memory_space<vmem>> -> memref<128x128xf32, #tpu.memory_space<vmem>>
      %dma_wait3A_169 = arith.constant 0 : i32
      %dma_wait3A_170 = arith.constant 0 : i32
      %dma_wait3A_171 = tpu.memref_slice %arg2[%dma_wait3A_169, %dma_wait3A_170] : memref<10000x128xf32, #tpu.memory_space<hbm>> -> memref<128x128xf32, #tpu.memory_space<hbm>>
      %dma_wait3A_172 = arith.constant 0 : i32
      %dma_wait3A_173 = arith.constant 0 : i32
      %dma_wait3A_174 = tpu.memref_slice %arg7[%dma_wait3A_164, %dma_wait3A_172, %dma_wait3A_173] : memref<2x128x128xf32, #tpu.memory_space<vmem>> -> memref<1x128x128xf32, #tpu.memory_space<vmem>>
      %dma_wait3A_175 = tpu.memref_squeeze %dma_wait3A_174 : memref<1x128x128xf32, #tpu.memory_space<vmem>> -> memref<128x128xf32, #tpu.memory_space<vmem>>
      %dma_wait3A_176 = arith.constant 0 : i32
      %dma_wait3A_177 = arith.constant 0 : i32
      %dma_wait3A_178 = tpu.memref_slice %arg2[%dma_wait3A_176, %dma_wait3A_177] : memref<10000x128xf32, #tpu.memory_space<hbm>> -> memref<128x128xf32, #tpu.memory_space<hbm>>
      tpu.wait_dma2 semaphore(%arg9 : memref<!tpu.dma_semaphore, #tpu.memory_space<semaphore_mem>>) src(%dma_wait3A_178 : memref<128x128xf32, #tpu.memory_space<hbm>>) dst(%dma_wait3A_175 : memref<128x128xf32, #tpu.memory_space<vmem>>)
      %run_scoped3A_179 = arith.constant 1 : i32
      %run_scoped3A_180 = arith.constant 1 : i32
      %run_scoped3A_181 = arith.constant 1 : i32
      "tpu.region"() ({
        %run_scoped3A_262 = tpu.sem_alloc : memref<!tpu.dma_semaphore, #tpu.memory_space<semaphore_mem>>
        %dma_start3A_263 = arith.constant 0 : i32
        %dma_start3A_264 = arith.constant 0 : i32
        %dma_start3A_265 = tpu.memref_slice %arg7[%run_scoped3A_179, %dma_start3A_263, %dma_start3A_264] : memref<2x128x128xf32, #tpu.memory_space<vmem>> -> memref<1x128x128xf32, #tpu.memory_space<vmem>>
        %dma_start3A_266 = tpu.memref_squeeze %dma_start3A_265 : memref<1x128x128xf32, #tpu.memory_space<vmem>> -> memref<128x128xf32, #tpu.memory_space<vmem>>
        %dma_start3A_267 = arith.constant 0 : i32
        %dma_start3A_268 = tpu.memref_slice %arg6[%run_scoped3A_180, %run_scoped3A_181, %dma_start3A_267] : memref<4x2x128xi32, #tpu.memory_space<vmem>> -> memref<1x1x128xi32, #tpu.memory_space<vmem>>
        %dma_start3A_269 = tpu.memref_squeeze %dma_start3A_268 : memref<1x1x128xi32, #tpu.memory_space<vmem>> -> memref<128xi32, #tpu.memory_space<vmem>>
        %dma_start3A_270 = arith.constant 0 : i32
        %dma_start3A_271 = arith.constant 0 : i32
        %dma_start3A_272 = tpu.memref_slice %arg5[%dma_start3A_270, %dma_start3A_271] : memref<10240x128xf32, #tpu.memory_space<vmem_shared>> -> memref<10240x128xf32, #tpu.memory_space<vmem_shared>>
        tpu.enqueue_indirect_dma source(%dma_start3A_266 : memref<128x128xf32, #tpu.memory_space<vmem>>) target(%dma_start3A_272 : memref<10240x128xf32, #tpu.memory_space<vmem_shared>>) offsets(%dma_start3A_269 : memref<128xi32, #tpu.memory_space<vmem>>) semaphore(%run_scoped3A_262 : memref<!tpu.dma_semaphore, #tpu.memory_space<semaphore_mem>>) {add = true}
        %dma_wait3A_273 = arith.constant 0 : i32
        %dma_wait3A_274 = arith.constant 0 : i32
        %dma_wait3A_275 = tpu.memref_slice %arg7[%run_scoped3A_179, %dma_wait3A_273, %dma_wait3A_274] : memref<2x128x128xf32, #tpu.memory_space<vmem>> -> memref<1x128x128xf32, #tpu.memory_space<vmem>>
        %dma_wait3A_276 = tpu.memref_squeeze %dma_wait3A_275 : memref<1x128x128xf32, #tpu.memory_space<vmem>> -> memref<128x128xf32, #tpu.memory_space<vmem>>
        %dma_wait3A_277 = arith.constant 0 : i32
        %dma_wait3A_278 = tpu.memref_slice %arg6[%run_scoped3A_180, %run_scoped3A_181, %dma_wait3A_277] : memref<4x2x128xi32, #tpu.memory_space<vmem>> -> memref<1x1x128xi32, #tpu.memory_space<vmem>>
        %dma_wait3A_279 = tpu.memref_squeeze %dma_wait3A_278 : memref<1x1x128xi32, #tpu.memory_space<vmem>> -> memref<128xi32, #tpu.memory_space<vmem>>
        %dma_wait3A_280 = arith.constant 0 : i32
        %dma_wait3A_281 = arith.constant 0 : i32
        %dma_wait3A_282 = tpu.memref_slice %arg5[%dma_wait3A_280, %dma_wait3A_281] : memref<10240x128xf32, #tpu.memory_space<vmem_shared>> -> memref<10240x128xf32, #tpu.memory_space<vmem_shared>>
        tpu.wait_indirect_dma semaphore(%run_scoped3A_262 : memref<!tpu.dma_semaphore, #tpu.memory_space<semaphore_mem>>) src(%dma_wait3A_276 : memref<128x128xf32, #tpu.memory_space<vmem>>) dst(%dma_wait3A_282 : memref<10240x128xf32, #tpu.memory_space<vmem_shared>>)
        tpu.yield
      }) : () -> ()
      %add3A_182 = arith.constant 4 : i32
      %add3A_183 = arith.addi %add3A_156, %add3A_182 : i32
      %lt3A_184 = arith.constant 80 : i32
      %lt3A_185 = arith.cmpi slt, %add3A_183, %lt3A_184 : i32
      %convert_element_type3A_186 = arith.extui %lt3A_185 : i1 to i32
      %cond3A_187 = arith.constant 0 : i32
      %cond3A_188 = arith.cmpi ne, %convert_element_type3A_186, %cond3A_187 : i32
      scf.if %cond3A_188 {
        %add3A_262 = arith.addi %mul3A_2, %add3A_156 : i32
        %add3A_263 = arith.constant 4 : i32
        %add3A_264 = arith.addi %add3A_262, %add3A_263 : i32
        %dma_start3A_265 = arith.constant 1 : i32
        %dma_start3A_266 = arith.constant 0 : i32
        %dma_start3A_267 = arith.constant 0 : i32
        %dma_start3A_268 = tpu.memref_slice %arg6[%dma_start3A_265, %dma_start3A_266, %dma_start3A_267] : memref<4x2x128xi32, #tpu.memory_space<vmem>> -> memref<1x2x128xi32, #tpu.memory_space<vmem>>
        %dma_start3A_269 = tpu.memref_squeeze %dma_start3A_268 : memref<1x2x128xi32, #tpu.memory_space<vmem>> -> memref<2x128xi32, #tpu.memory_space<vmem>>
        %dma_start3A_270 = arith.constant 0 : i32
        %dma_start3A_271 = arith.constant 0 : i32
        %dma_start3A_272 = tpu.memref_slice %arg3[%add3A_264, %dma_start3A_270, %dma_start3A_271] : memref<2560x2x128xi32, #tpu.memory_space<hbm>> -> memref<1x2x128xi32, #tpu.memory_space<hbm>>
        %dma_start3A_273 = tpu.memref_squeeze %dma_start3A_272 : memref<1x2x128xi32, #tpu.memory_space<hbm>> -> memref<2x128xi32, #tpu.memory_space<hbm>>
        %dma_start3A_274 = arith.constant 0 : i32
        %dma_start3A_275 = arith.constant 0 : i32
        %dma_start3A_276 = tpu.memref_slice %arg6[%dma_start3A_265, %dma_start3A_274, %dma_start3A_275] : memref<4x2x128xi32, #tpu.memory_space<vmem>> -> memref<1x2x128xi32, #tpu.memory_space<vmem>>
        %dma_start3A_277 = tpu.memref_squeeze %dma_start3A_276 : memref<1x2x128xi32, #tpu.memory_space<vmem>> -> memref<2x128xi32, #tpu.memory_space<vmem>>
        %dma_start3A_278 = arith.constant 0 : i32
        %dma_start3A_279 = arith.constant 0 : i32
        %dma_start3A_280 = tpu.memref_slice %arg3[%add3A_264, %dma_start3A_278, %dma_start3A_279] : memref<2560x2x128xi32, #tpu.memory_space<hbm>> -> memref<1x2x128xi32, #tpu.memory_space<hbm>>
        %dma_start3A_281 = tpu.memref_squeeze %dma_start3A_280 : memref<1x2x128xi32, #tpu.memory_space<hbm>> -> memref<2x128xi32, #tpu.memory_space<hbm>>
        tpu.enqueue_dma source(%dma_start3A_281 : memref<2x128xi32, #tpu.memory_space<hbm>>) target(%dma_start3A_277 : memref<2x128xi32, #tpu.memory_space<vmem>>) target_semaphore(%arg11 : memref<!tpu.dma_semaphore, #tpu.memory_space<semaphore_mem>>)
      } else {
      }
      %mul3A_189 = arith.constant 4 : i32
      %mul3A_190 = arith.muli %mul3A_189, %scan3A_117 : i32
      %add3A_191 = arith.constant 2 : i32
      %add3A_192 = arith.addi %mul3A_190, %add3A_191 : i32
      %add3A_193 = arith.constant 1 : i32
      %add3A_194 = arith.addi %add3A_192, %add3A_193 : i32
      %lt3A_195 = arith.constant 80 : i32
      %lt3A_196 = arith.cmpi slt, %add3A_194, %lt3A_195 : i32
      %convert_element_type3A_197 = arith.extui %lt3A_196 : i1 to i32
      %cond3A_198 = arith.constant 0 : i32
      %cond3A_199 = arith.cmpi ne, %convert_element_type3A_197, %cond3A_198 : i32
      scf.if %cond3A_199 {
        %dma_wait3A_262 = arith.constant 3 : i32
        %dma_wait3A_263 = arith.constant 0 : i32
        %dma_wait3A_264 = arith.constant 0 : i32
        %dma_wait3A_265 = tpu.memref_slice %arg6[%dma_wait3A_262, %dma_wait3A_263, %dma_wait3A_264] : memref<4x2x128xi32, #tpu.memory_space<vmem>> -> memref<1x2x128xi32, #tpu.memory_space<vmem>>
        %dma_wait3A_266 = tpu.memref_squeeze %dma_wait3A_265 : memref<1x2x128xi32, #tpu.memory_space<vmem>> -> memref<2x128xi32, #tpu.memory_space<vmem>>
        %dma_wait3A_267 = arith.constant 0 : i32
        %dma_wait3A_268 = arith.constant 0 : i32
        %dma_wait3A_269 = tpu.memref_slice %arg3[%mul3A_2, %dma_wait3A_267, %dma_wait3A_268] : memref<2560x2x128xi32, #tpu.memory_space<hbm>> -> memref<1x2x128xi32, #tpu.memory_space<hbm>>
        %dma_wait3A_270 = tpu.memref_squeeze %dma_wait3A_269 : memref<1x2x128xi32, #tpu.memory_space<hbm>> -> memref<2x128xi32, #tpu.memory_space<hbm>>
        %dma_wait3A_271 = arith.constant 0 : i32
        %dma_wait3A_272 = arith.constant 0 : i32
        %dma_wait3A_273 = tpu.memref_slice %arg6[%dma_wait3A_262, %dma_wait3A_271, %dma_wait3A_272] : memref<4x2x128xi32, #tpu.memory_space<vmem>> -> memref<1x2x128xi32, #tpu.memory_space<vmem>>
        %dma_wait3A_274 = tpu.memref_squeeze %dma_wait3A_273 : memref<1x2x128xi32, #tpu.memory_space<vmem>> -> memref<2x128xi32, #tpu.memory_space<vmem>>
        %dma_wait3A_275 = arith.constant 0 : i32
        %dma_wait3A_276 = arith.constant 0 : i32
        %dma_wait3A_277 = tpu.memref_slice %arg3[%mul3A_2, %dma_wait3A_275, %dma_wait3A_276] : memref<2560x2x128xi32, #tpu.memory_space<hbm>> -> memref<1x2x128xi32, #tpu.memory_space<hbm>>
        %dma_wait3A_278 = tpu.memref_squeeze %dma_wait3A_277 : memref<1x2x128xi32, #tpu.memory_space<hbm>> -> memref<2x128xi32, #tpu.memory_space<hbm>>
        tpu.wait_dma2 semaphore(%arg13 : memref<!tpu.dma_semaphore, #tpu.memory_space<semaphore_mem>>) src(%dma_wait3A_278 : memref<2x128xi32, #tpu.memory_space<hbm>>) dst(%dma_wait3A_274 : memref<2x128xi32, #tpu.memory_space<vmem>>)
        %dma_start3A_279 = arith.constant 3 : i32
        %dma_start3A_280 = arith.constant 0 : i32
        %dma_start3A_281 = arith.constant 1 : i32
        %dma_start3A_282 = arith.constant 0 : i32
        %dma_start3A_283 = arith.constant 0 : i32
        %dma_start3A_284 = tpu.memref_slice %arg7[%dma_start3A_281, %dma_start3A_282, %dma_start3A_283] : memref<2x128x128xf32, #tpu.memory_space<vmem>> -> memref<1x128x128xf32, #tpu.memory_space<vmem>>
        %dma_start3A_285 = tpu.memref_squeeze %dma_start3A_284 : memref<1x128x128xf32, #tpu.memory_space<vmem>> -> memref<128x128xf32, #tpu.memory_space<vmem>>
        %dma_start3A_286 = arith.constant 0 : i32
        %dma_start3A_287 = tpu.memref_slice %arg6[%dma_start3A_279, %dma_start3A_280, %dma_start3A_286] : memref<4x2x128xi32, #tpu.memory_space<vmem>> -> memref<1x1x128xi32, #tpu.memory_space<vmem>>
        %dma_start3A_288 = tpu.memref_squeeze %dma_start3A_287 : memref<1x1x128xi32, #tpu.memory_space<vmem>> -> memref<128xi32, #tpu.memory_space<vmem>>
        %dma_start3A_289 = arith.constant 0 : i32
        %dma_start3A_290 = arith.constant 0 : i32
        %dma_start3A_291 = tpu.memref_slice %arg2[%dma_start3A_289, %dma_start3A_290] : memref<10000x128xf32, #tpu.memory_space<hbm>> -> memref<10000x128xf32, #tpu.memory_space<hbm>>
        tpu.enqueue_indirect_dma source(%dma_start3A_291 : memref<10000x128xf32, #tpu.memory_space<hbm>>) target(%dma_start3A_285 : memref<128x128xf32, #tpu.memory_space<vmem>>) offsets(%dma_start3A_288 : memref<128xi32, #tpu.memory_space<vmem>>) semaphore(%arg9 : memref<!tpu.dma_semaphore, #tpu.memory_space<semaphore_mem>>)
      } else {
      }
      %dma_wait3A_200 = arith.constant 0 : i32
      %dma_wait3A_201 = arith.constant 0 : i32
      %dma_wait3A_202 = arith.constant 0 : i32
      %dma_wait3A_203 = tpu.memref_slice %arg7[%dma_wait3A_200, %dma_wait3A_201, %dma_wait3A_202] : memref<2x128x128xf32, #tpu.memory_space<vmem>> -> memref<1x128x128xf32, #tpu.memory_space<vmem>>
      %dma_wait3A_204 = tpu.memref_squeeze %dma_wait3A_203 : memref<1x128x128xf32, #tpu.memory_space<vmem>> -> memref<128x128xf32, #tpu.memory_space<vmem>>
      %dma_wait3A_205 = arith.constant 0 : i32
      %dma_wait3A_206 = arith.constant 0 : i32
      %dma_wait3A_207 = tpu.memref_slice %arg2[%dma_wait3A_205, %dma_wait3A_206] : memref<10000x128xf32, #tpu.memory_space<hbm>> -> memref<128x128xf32, #tpu.memory_space<hbm>>
      %dma_wait3A_208 = arith.constant 0 : i32
      %dma_wait3A_209 = arith.constant 0 : i32
      %dma_wait3A_210 = tpu.memref_slice %arg7[%dma_wait3A_200, %dma_wait3A_208, %dma_wait3A_209] : memref<2x128x128xf32, #tpu.memory_space<vmem>> -> memref<1x128x128xf32, #tpu.memory_space<vmem>>
      %dma_wait3A_211 = tpu.memref_squeeze %dma_wait3A_210 : memref<1x128x128xf32, #tpu.memory_space<vmem>> -> memref<128x128xf32, #tpu.memory_space<vmem>>
      %dma_wait3A_212 = arith.constant 0 : i32
      %dma_wait3A_213 = arith.constant 0 : i32
      %dma_wait3A_214 = tpu.memref_slice %arg2[%dma_wait3A_212, %dma_wait3A_213] : memref<10000x128xf32, #tpu.memory_space<hbm>> -> memref<128x128xf32, #tpu.memory_space<hbm>>
      tpu.wait_dma2 semaphore(%arg8 : memref<!tpu.dma_semaphore, #tpu.memory_space<semaphore_mem>>) src(%dma_wait3A_214 : memref<128x128xf32, #tpu.memory_space<hbm>>) dst(%dma_wait3A_211 : memref<128x128xf32, #tpu.memory_space<vmem>>)
      %run_scoped3A_215 = arith.constant 0 : i32
      %run_scoped3A_216 = arith.constant 2 : i32
      %run_scoped3A_217 = arith.constant 1 : i32
      "tpu.region"() ({
        %run_scoped3A_262 = tpu.sem_alloc : memref<!tpu.dma_semaphore, #tpu.memory_space<semaphore_mem>>
        %dma_start3A_263 = arith.constant 0 : i32
        %dma_start3A_264 = arith.constant 0 : i32
        %dma_start3A_265 = tpu.memref_slice %arg7[%run_scoped3A_215, %dma_start3A_263, %dma_start3A_264] : memref<2x128x128xf32, #tpu.memory_space<vmem>> -> memref<1x128x128xf32, #tpu.memory_space<vmem>>
        %dma_start3A_266 = tpu.memref_squeeze %dma_start3A_265 : memref<1x128x128xf32, #tpu.memory_space<vmem>> -> memref<128x128xf32, #tpu.memory_space<vmem>>
        %dma_start3A_267 = arith.constant 0 : i32
        %dma_start3A_268 = tpu.memref_slice %arg6[%run_scoped3A_216, %run_scoped3A_217, %dma_start3A_267] : memref<4x2x128xi32, #tpu.memory_space<vmem>> -> memref<1x1x128xi32, #tpu.memory_space<vmem>>
        %dma_start3A_269 = tpu.memref_squeeze %dma_start3A_268 : memref<1x1x128xi32, #tpu.memory_space<vmem>> -> memref<128xi32, #tpu.memory_space<vmem>>
        %dma_start3A_270 = arith.constant 0 : i32
        %dma_start3A_271 = arith.constant 0 : i32
        %dma_start3A_272 = tpu.memref_slice %arg5[%dma_start3A_270, %dma_start3A_271] : memref<10240x128xf32, #tpu.memory_space<vmem_shared>> -> memref<10240x128xf32, #tpu.memory_space<vmem_shared>>
        tpu.enqueue_indirect_dma source(%dma_start3A_266 : memref<128x128xf32, #tpu.memory_space<vmem>>) target(%dma_start3A_272 : memref<10240x128xf32, #tpu.memory_space<vmem_shared>>) offsets(%dma_start3A_269 : memref<128xi32, #tpu.memory_space<vmem>>) semaphore(%run_scoped3A_262 : memref<!tpu.dma_semaphore, #tpu.memory_space<semaphore_mem>>) {add = true}
        %dma_wait3A_273 = arith.constant 0 : i32
        %dma_wait3A_274 = arith.constant 0 : i32
        %dma_wait3A_275 = tpu.memref_slice %arg7[%run_scoped3A_215, %dma_wait3A_273, %dma_wait3A_274] : memref<2x128x128xf32, #tpu.memory_space<vmem>> -> memref<1x128x128xf32, #tpu.memory_space<vmem>>
        %dma_wait3A_276 = tpu.memref_squeeze %dma_wait3A_275 : memref<1x128x128xf32, #tpu.memory_space<vmem>> -> memref<128x128xf32, #tpu.memory_space<vmem>>
        %dma_wait3A_277 = arith.constant 0 : i32
        %dma_wait3A_278 = tpu.memref_slice %arg6[%run_scoped3A_216, %run_scoped3A_217, %dma_wait3A_277] : memref<4x2x128xi32, #tpu.memory_space<vmem>> -> memref<1x1x128xi32, #tpu.memory_space<vmem>>
        %dma_wait3A_279 = tpu.memref_squeeze %dma_wait3A_278 : memref<1x1x128xi32, #tpu.memory_space<vmem>> -> memref<128xi32, #tpu.memory_space<vmem>>
        %dma_wait3A_280 = arith.constant 0 : i32
        %dma_wait3A_281 = arith.constant 0 : i32
        %dma_wait3A_282 = tpu.memref_slice %arg5[%dma_wait3A_280, %dma_wait3A_281] : memref<10240x128xf32, #tpu.memory_space<vmem_shared>> -> memref<10240x128xf32, #tpu.memory_space<vmem_shared>>
        tpu.wait_indirect_dma semaphore(%run_scoped3A_262 : memref<!tpu.dma_semaphore, #tpu.memory_space<semaphore_mem>>) src(%dma_wait3A_276 : memref<128x128xf32, #tpu.memory_space<vmem>>) dst(%dma_wait3A_282 : memref<10240x128xf32, #tpu.memory_space<vmem_shared>>)
        tpu.yield
      }) : () -> ()
      %add3A_218 = arith.constant 4 : i32
      %add3A_219 = arith.addi %add3A_192, %add3A_218 : i32
      %lt3A_220 = arith.constant 80 : i32
      %lt3A_221 = arith.cmpi slt, %add3A_219, %lt3A_220 : i32
      %convert_element_type3A_222 = arith.extui %lt3A_221 : i1 to i32
      %cond3A_223 = arith.constant 0 : i32
      %cond3A_224 = arith.cmpi ne, %convert_element_type3A_222, %cond3A_223 : i32
      scf.if %cond3A_224 {
        %add3A_262 = arith.addi %mul3A_2, %add3A_192 : i32
        %add3A_263 = arith.constant 4 : i32
        %add3A_264 = arith.addi %add3A_262, %add3A_263 : i32
        %dma_start3A_265 = arith.constant 2 : i32
        %dma_start3A_266 = arith.constant 0 : i32
        %dma_start3A_267 = arith.constant 0 : i32
        %dma_start3A_268 = tpu.memref_slice %arg6[%dma_start3A_265, %dma_start3A_266, %dma_start3A_267] : memref<4x2x128xi32, #tpu.memory_space<vmem>> -> memref<1x2x128xi32, #tpu.memory_space<vmem>>
        %dma_start3A_269 = tpu.memref_squeeze %dma_start3A_268 : memref<1x2x128xi32, #tpu.memory_space<vmem>> -> memref<2x128xi32, #tpu.memory_space<vmem>>
        %dma_start3A_270 = arith.constant 0 : i32
        %dma_start3A_271 = arith.constant 0 : i32
        %dma_start3A_272 = tpu.memref_slice %arg3[%add3A_264, %dma_start3A_270, %dma_start3A_271] : memref<2560x2x128xi32, #tpu.memory_space<hbm>> -> memref<1x2x128xi32, #tpu.memory_space<hbm>>
        %dma_start3A_273 = tpu.memref_squeeze %dma_start3A_272 : memref<1x2x128xi32, #tpu.memory_space<hbm>> -> memref<2x128xi32, #tpu.memory_space<hbm>>
        %dma_start3A_274 = arith.constant 0 : i32
        %dma_start3A_275 = arith.constant 0 : i32
        %dma_start3A_276 = tpu.memref_slice %arg6[%dma_start3A_265, %dma_start3A_274, %dma_start3A_275] : memref<4x2x128xi32, #tpu.memory_space<vmem>> -> memref<1x2x128xi32, #tpu.memory_space<vmem>>
        %dma_start3A_277 = tpu.memref_squeeze %dma_start3A_276 : memref<1x2x128xi32, #tpu.memory_space<vmem>> -> memref<2x128xi32, #tpu.memory_space<vmem>>
        %dma_start3A_278 = arith.constant 0 : i32
        %dma_start3A_279 = arith.constant 0 : i32
        %dma_start3A_280 = tpu.memref_slice %arg3[%add3A_264, %dma_start3A_278, %dma_start3A_279] : memref<2560x2x128xi32, #tpu.memory_space<hbm>> -> memref<1x2x128xi32, #tpu.memory_space<hbm>>
        %dma_start3A_281 = tpu.memref_squeeze %dma_start3A_280 : memref<1x2x128xi32, #tpu.memory_space<hbm>> -> memref<2x128xi32, #tpu.memory_space<hbm>>
        tpu.enqueue_dma source(%dma_start3A_281 : memref<2x128xi32, #tpu.memory_space<hbm>>) target(%dma_start3A_277 : memref<2x128xi32, #tpu.memory_space<vmem>>) target_semaphore(%arg12 : memref<!tpu.dma_semaphore, #tpu.memory_space<semaphore_mem>>)
      } else {
      }
      %mul3A_225 = arith.constant 4 : i32
      %mul3A_226 = arith.muli %mul3A_225, %scan3A_117 : i32
      %add3A_227 = arith.constant 3 : i32
      %add3A_228 = arith.addi %mul3A_226, %add3A_227 : i32
      %add3A_229 = arith.constant 1 : i32
      %add3A_230 = arith.addi %add3A_228, %add3A_229 : i32
      %lt3A_231 = arith.constant 80 : i32
      %lt3A_232 = arith.cmpi slt, %add3A_230, %lt3A_231 : i32
      %convert_element_type3A_233 = arith.extui %lt3A_232 : i1 to i32
      %cond3A_234 = arith.constant 0 : i32
      %cond3A_235 = arith.cmpi ne, %convert_element_type3A_233, %cond3A_234 : i32
      scf.if %cond3A_235 {
        %dma_wait3A_262 = arith.constant 0 : i32
        %dma_wait3A_263 = arith.constant 0 : i32
        %dma_wait3A_264 = arith.constant 0 : i32
        %dma_wait3A_265 = tpu.memref_slice %arg6[%dma_wait3A_262, %dma_wait3A_263, %dma_wait3A_264] : memref<4x2x128xi32, #tpu.memory_space<vmem>> -> memref<1x2x128xi32, #tpu.memory_space<vmem>>
        %dma_wait3A_266 = tpu.memref_squeeze %dma_wait3A_265 : memref<1x2x128xi32, #tpu.memory_space<vmem>> -> memref<2x128xi32, #tpu.memory_space<vmem>>
        %dma_wait3A_267 = arith.constant 0 : i32
        %dma_wait3A_268 = arith.constant 0 : i32
        %dma_wait3A_269 = tpu.memref_slice %arg3[%mul3A_2, %dma_wait3A_267, %dma_wait3A_268] : memref<2560x2x128xi32, #tpu.memory_space<hbm>> -> memref<1x2x128xi32, #tpu.memory_space<hbm>>
        %dma_wait3A_270 = tpu.memref_squeeze %dma_wait3A_269 : memref<1x2x128xi32, #tpu.memory_space<hbm>> -> memref<2x128xi32, #tpu.memory_space<hbm>>
        %dma_wait3A_271 = arith.constant 0 : i32
        %dma_wait3A_272 = arith.constant 0 : i32
        %dma_wait3A_273 = tpu.memref_slice %arg6[%dma_wait3A_262, %dma_wait3A_271, %dma_wait3A_272] : memref<4x2x128xi32, #tpu.memory_space<vmem>> -> memref<1x2x128xi32, #tpu.memory_space<vmem>>
        %dma_wait3A_274 = tpu.memref_squeeze %dma_wait3A_273 : memref<1x2x128xi32, #tpu.memory_space<vmem>> -> memref<2x128xi32, #tpu.memory_space<vmem>>
        %dma_wait3A_275 = arith.constant 0 : i32
        %dma_wait3A_276 = arith.constant 0 : i32
        %dma_wait3A_277 = tpu.memref_slice %arg3[%mul3A_2, %dma_wait3A_275, %dma_wait3A_276] : memref<2560x2x128xi32, #tpu.memory_space<hbm>> -> memref<1x2x128xi32, #tpu.memory_space<hbm>>
        %dma_wait3A_278 = tpu.memref_squeeze %dma_wait3A_277 : memref<1x2x128xi32, #tpu.memory_space<hbm>> -> memref<2x128xi32, #tpu.memory_space<hbm>>
        tpu.wait_dma2 semaphore(%arg10 : memref<!tpu.dma_semaphore, #tpu.memory_space<semaphore_mem>>) src(%dma_wait3A_278 : memref<2x128xi32, #tpu.memory_space<hbm>>) dst(%dma_wait3A_274 : memref<2x128xi32, #tpu.memory_space<vmem>>)
        %dma_start3A_279 = arith.constant 0 : i32
        %dma_start3A_280 = arith.constant 0 : i32
        %dma_start3A_281 = arith.constant 0 : i32
        %dma_start3A_282 = arith.constant 0 : i32
        %dma_start3A_283 = arith.constant 0 : i32
        %dma_start3A_284 = tpu.memref_slice %arg7[%dma_start3A_281, %dma_start3A_282, %dma_start3A_283] : memref<2x128x128xf32, #tpu.memory_space<vmem>> -> memref<1x128x128xf32, #tpu.memory_space<vmem>>
        %dma_start3A_285 = tpu.memref_squeeze %dma_start3A_284 : memref<1x128x128xf32, #tpu.memory_space<vmem>> -> memref<128x128xf32, #tpu.memory_space<vmem>>
        %dma_start3A_286 = arith.constant 0 : i32
        %dma_start3A_287 = tpu.memref_slice %arg6[%dma_start3A_279, %dma_start3A_280, %dma_start3A_286] : memref<4x2x128xi32, #tpu.memory_space<vmem>> -> memref<1x1x128xi32, #tpu.memory_space<vmem>>
        %dma_start3A_288 = tpu.memref_squeeze %dma_start3A_287 : memref<1x1x128xi32, #tpu.memory_space<vmem>> -> memref<128xi32, #tpu.memory_space<vmem>>
        %dma_start3A_289 = arith.constant 0 : i32
        %dma_start3A_290 = arith.constant 0 : i32
        %dma_start3A_291 = tpu.memref_slice %arg2[%dma_start3A_289, %dma_start3A_290] : memref<10000x128xf32, #tpu.memory_space<hbm>> -> memref<10000x128xf32, #tpu.memory_space<hbm>>
        tpu.enqueue_indirect_dma source(%dma_start3A_291 : memref<10000x128xf32, #tpu.memory_space<hbm>>) target(%dma_start3A_285 : memref<128x128xf32, #tpu.memory_space<vmem>>) offsets(%dma_start3A_288 : memref<128xi32, #tpu.memory_space<vmem>>) semaphore(%arg8 : memref<!tpu.dma_semaphore, #tpu.memory_space<semaphore_mem>>)
      } else {
      }
      %dma_wait3A_236 = arith.constant 1 : i32
      %dma_wait3A_237 = arith.constant 0 : i32
      %dma_wait3A_238 = arith.constant 0 : i32
      %dma_wait3A_239 = tpu.memref_slice %arg7[%dma_wait3A_236, %dma_wait3A_237, %dma_wait3A_238] : memref<2x128x128xf32, #tpu.memory_space<vmem>> -> memref<1x128x128xf32, #tpu.memory_space<vmem>>
      %dma_wait3A_240 = tpu.memref_squeeze %dma_wait3A_239 : memref<1x128x128xf32, #tpu.memory_space<vmem>> -> memref<128x128xf32, #tpu.memory_space<vmem>>
      %dma_wait3A_241 = arith.constant 0 : i32
      %dma_wait3A_242 = arith.constant 0 : i32
      %dma_wait3A_243 = tpu.memref_slice %arg2[%dma_wait3A_241, %dma_wait3A_242] : memref<10000x128xf32, #tpu.memory_space<hbm>> -> memref<128x128xf32, #tpu.memory_space<hbm>>
      %dma_wait3A_244 = arith.constant 0 : i32
      %dma_wait3A_245 = arith.constant 0 : i32
      %dma_wait3A_246 = tpu.memref_slice %arg7[%dma_wait3A_236, %dma_wait3A_244, %dma_wait3A_245] : memref<2x128x128xf32, #tpu.memory_space<vmem>> -> memref<1x128x128xf32, #tpu.memory_space<vmem>>
      %dma_wait3A_247 = tpu.memref_squeeze %dma_wait3A_246 : memref<1x128x128xf32, #tpu.memory_space<vmem>> -> memref<128x128xf32, #tpu.memory_space<vmem>>
      %dma_wait3A_248 = arith.constant 0 : i32
      %dma_wait3A_249 = arith.constant 0 : i32
      %dma_wait3A_250 = tpu.memref_slice %arg2[%dma_wait3A_248, %dma_wait3A_249] : memref<10000x128xf32, #tpu.memory_space<hbm>> -> memref<128x128xf32, #tpu.memory_space<hbm>>
      tpu.wait_dma2 semaphore(%arg9 : memref<!tpu.dma_semaphore, #tpu.memory_space<semaphore_mem>>) src(%dma_wait3A_250 : memref<128x128xf32, #tpu.memory_space<hbm>>) dst(%dma_wait3A_247 : memref<128x128xf32, #tpu.memory_space<vmem>>)
      %run_scoped3A_251 = arith.constant 1 : i32
      %run_scoped3A_252 = arith.constant 3 : i32
      %run_scoped3A_253 = arith.constant 1 : i32
      "tpu.region"() ({
        %run_scoped3A_262 = tpu.sem_alloc : memref<!tpu.dma_semaphore, #tpu.memory_space<semaphore_mem>>
        %dma_start3A_263 = arith.constant 0 : i32
        %dma_start3A_264 = arith.constant 0 : i32
        %dma_start3A_265 = tpu.memref_slice %arg7[%run_scoped3A_251, %dma_start3A_263, %dma_start3A_264] : memref<2x128x128xf32, #tpu.memory_space<vmem>> -> memref<1x128x128xf32, #tpu.memory_space<vmem>>
        %dma_start3A_266 = tpu.memref_squeeze %dma_start3A_265 : memref<1x128x128xf32, #tpu.memory_space<vmem>> -> memref<128x128xf32, #tpu.memory_space<vmem>>
        %dma_start3A_267 = arith.constant 0 : i32
        %dma_start3A_268 = tpu.memref_slice %arg6[%run_scoped3A_252, %run_scoped3A_253, %dma_start3A_267] : memref<4x2x128xi32, #tpu.memory_space<vmem>> -> memref<1x1x128xi32, #tpu.memory_space<vmem>>
        %dma_start3A_269 = tpu.memref_squeeze %dma_start3A_268 : memref<1x1x128xi32, #tpu.memory_space<vmem>> -> memref<128xi32, #tpu.memory_space<vmem>>
        %dma_start3A_270 = arith.constant 0 : i32
        %dma_start3A_271 = arith.constant 0 : i32
        %dma_start3A_272 = tpu.memref_slice %arg5[%dma_start3A_270, %dma_start3A_271] : memref<10240x128xf32, #tpu.memory_space<vmem_shared>> -> memref<10240x128xf32, #tpu.memory_space<vmem_shared>>
        tpu.enqueue_indirect_dma source(%dma_start3A_266 : memref<128x128xf32, #tpu.memory_space<vmem>>) target(%dma_start3A_272 : memref<10240x128xf32, #tpu.memory_space<vmem_shared>>) offsets(%dma_start3A_269 : memref<128xi32, #tpu.memory_space<vmem>>) semaphore(%run_scoped3A_262 : memref<!tpu.dma_semaphore, #tpu.memory_space<semaphore_mem>>) {add = true}
        %dma_wait3A_273 = arith.constant 0 : i32
        %dma_wait3A_274 = arith.constant 0 : i32
        %dma_wait3A_275 = tpu.memref_slice %arg7[%run_scoped3A_251, %dma_wait3A_273, %dma_wait3A_274] : memref<2x128x128xf32, #tpu.memory_space<vmem>> -> memref<1x128x128xf32, #tpu.memory_space<vmem>>
        %dma_wait3A_276 = tpu.memref_squeeze %dma_wait3A_275 : memref<1x128x128xf32, #tpu.memory_space<vmem>> -> memref<128x128xf32, #tpu.memory_space<vmem>>
        %dma_wait3A_277 = arith.constant 0 : i32
        %dma_wait3A_278 = tpu.memref_slice %arg6[%run_scoped3A_252, %run_scoped3A_253, %dma_wait3A_277] : memref<4x2x128xi32, #tpu.memory_space<vmem>> -> memref<1x1x128xi32, #tpu.memory_space<vmem>>
        %dma_wait3A_279 = tpu.memref_squeeze %dma_wait3A_278 : memref<1x1x128xi32, #tpu.memory_space<vmem>> -> memref<128xi32, #tpu.memory_space<vmem>>
        %dma_wait3A_280 = arith.constant 0 : i32
        %dma_wait3A_281 = arith.constant 0 : i32
        %dma_wait3A_282 = tpu.memref_slice %arg5[%dma_wait3A_280, %dma_wait3A_281] : memref<10240x128xf32, #tpu.memory_space<vmem_shared>> -> memref<10240x128xf32, #tpu.memory_space<vmem_shared>>
        tpu.wait_indirect_dma semaphore(%run_scoped3A_262 : memref<!tpu.dma_semaphore, #tpu.memory_space<semaphore_mem>>) src(%dma_wait3A_276 : memref<128x128xf32, #tpu.memory_space<vmem>>) dst(%dma_wait3A_282 : memref<10240x128xf32, #tpu.memory_space<vmem_shared>>)
        tpu.yield
      }) : () -> ()
      %add3A_254 = arith.constant 4 : i32
      %add3A_255 = arith.addi %add3A_228, %add3A_254 : i32
      %lt3A_256 = arith.constant 80 : i32
      %lt3A_257 = arith.cmpi slt, %add3A_255, %lt3A_256 : i32
      %convert_element_type3A_258 = arith.extui %lt3A_257 : i1 to i32
      %cond3A_259 = arith.constant 0 : i32
      %cond3A_260 = arith.cmpi ne, %convert_element_type3A_258, %cond3A_259 : i32
      scf.if %cond3A_260 {
        %add3A_262 = arith.addi %mul3A_2, %add3A_228 : i32
        %add3A_263 = arith.constant 4 : i32
        %add3A_264 = arith.addi %add3A_262, %add3A_263 : i32
        %dma_start3A_265 = arith.constant 3 : i32
        %dma_start3A_266 = arith.constant 0 : i32
        %dma_start3A_267 = arith.constant 0 : i32
        %dma_start3A_268 = tpu.memref_slice %arg6[%dma_start3A_265, %dma_start3A_266, %dma_start3A_267] : memref<4x2x128xi32, #tpu.memory_space<vmem>> -> memref<1x2x128xi32, #tpu.memory_space<vmem>>
        %dma_start3A_269 = tpu.memref_squeeze %dma_start3A_268 : memref<1x2x128xi32, #tpu.memory_space<vmem>> -> memref<2x128xi32, #tpu.memory_space<vmem>>
        %dma_start3A_270 = arith.constant 0 : i32
        %dma_start3A_271 = arith.constant 0 : i32
        %dma_start3A_272 = tpu.memref_slice %arg3[%add3A_264, %dma_start3A_270, %dma_start3A_271] : memref<2560x2x128xi32, #tpu.memory_space<hbm>> -> memref<1x2x128xi32, #tpu.memory_space<hbm>>
        %dma_start3A_273 = tpu.memref_squeeze %dma_start3A_272 : memref<1x2x128xi32, #tpu.memory_space<hbm>> -> memref<2x128xi32, #tpu.memory_space<hbm>>
        %dma_start3A_274 = arith.constant 0 : i32
        %dma_start3A_275 = arith.constant 0 : i32
        %dma_start3A_276 = tpu.memref_slice %arg6[%dma_start3A_265, %dma_start3A_274, %dma_start3A_275] : memref<4x2x128xi32, #tpu.memory_space<vmem>> -> memref<1x2x128xi32, #tpu.memory_space<vmem>>
        %dma_start3A_277 = tpu.memref_squeeze %dma_start3A_276 : memref<1x2x128xi32, #tpu.memory_space<vmem>> -> memref<2x128xi32, #tpu.memory_space<vmem>>
        %dma_start3A_278 = arith.constant 0 : i32
        %dma_start3A_279 = arith.constant 0 : i32
        %dma_start3A_280 = tpu.memref_slice %arg3[%add3A_264, %dma_start3A_278, %dma_start3A_279] : memref<2560x2x128xi32, #tpu.memory_space<hbm>> -> memref<1x2x128xi32, #tpu.memory_space<hbm>>
        %dma_start3A_281 = tpu.memref_squeeze %dma_start3A_280 : memref<1x2x128xi32, #tpu.memory_space<hbm>> -> memref<2x128xi32, #tpu.memory_space<hbm>>
        tpu.enqueue_dma source(%dma_start3A_281 : memref<2x128xi32, #tpu.memory_space<hbm>>) target(%dma_start3A_277 : memref<2x128xi32, #tpu.memory_space<vmem>>) target_semaphore(%arg13 : memref<!tpu.dma_semaphore, #tpu.memory_space<semaphore_mem>>)
      } else {
      }
      %scan3A_261 = arith.constant 0 : i32
      scf.yield %scan3A_261 : i32
    }
    %scan3A_109 = arith.constant 20 : i32
    %barrier3A_110 = arith.constant 0 : index
    tpu.barrier barrier_id(%barrier3A_110)
    %mul3A_111 = arith.constant 624 : i32
    %mul3A_112 = arith.muli %arg1, %mul3A_111 : i32
    %mul3A_113 = arith.constant 624 : i32
    %mul3A_114 = arith.muli %arg1, %mul3A_113 : i32
    "tpu.region"() ({
      %run_scoped3A_117 = tpu.sem_alloc : memref<!tpu.dma_semaphore, #tpu.memory_space<semaphore_mem>>
      %dma_start3A_118 = arith.constant 0 : i32
      %dma_start3A_119 = tpu.memref_slice %arg4[%arg0, %mul3A_114, %dma_start3A_118] : memref<2x10000x128xf32, #tpu.memory_space<hbm>> -> memref<1x624x128xf32, #tpu.memory_space<hbm>>
      %dma_start3A_120 = tpu.memref_squeeze %dma_start3A_119 : memref<1x624x128xf32, #tpu.memory_space<hbm>> -> memref<624x128xf32, #tpu.memory_space<hbm>>
      %dma_start3A_121 = arith.constant 0 : i32
      %dma_start3A_122 = tpu.memref_slice %arg5[%mul3A_112, %dma_start3A_121] : memref<10240x128xf32, #tpu.memory_space<vmem_shared>> -> memref<624x128xf32, #tpu.memory_space<vmem_shared>>
      tpu.enqueue_dma source(%dma_start3A_122 : memref<624x128xf32, #tpu.memory_space<vmem_shared>>) target(%dma_start3A_120 : memref<624x128xf32, #tpu.memory_space<hbm>>) target_semaphore(%run_scoped3A_117 : memref<!tpu.dma_semaphore, #tpu.memory_space<semaphore_mem>>)
      %dma_wait3A = arith.constant 0 : i32
      %dma_wait3A_123 = tpu.memref_slice %arg4[%arg0, %mul3A_114, %dma_wait3A] : memref<2x10000x128xf32, #tpu.memory_space<hbm>> -> memref<1x624x128xf32, #tpu.memory_space<hbm>>
      %dma_wait3A_124 = tpu.memref_squeeze %dma_wait3A_123 : memref<1x624x128xf32, #tpu.memory_space<hbm>> -> memref<624x128xf32, #tpu.memory_space<hbm>>
      %dma_wait3A_125 = arith.constant 0 : i32
      %dma_wait3A_126 = tpu.memref_slice %arg5[%mul3A_112, %dma_wait3A_125] : memref<10240x128xf32, #tpu.memory_space<vmem_shared>> -> memref<624x128xf32, #tpu.memory_space<vmem_shared>>
      tpu.wait_dma2 semaphore(%run_scoped3A_117 : memref<!tpu.dma_semaphore, #tpu.memory_space<semaphore_mem>>) src(%dma_wait3A_126 : memref<624x128xf32, #tpu.memory_space<vmem_shared>>) dst(%dma_wait3A_124 : memref<624x128xf32, #tpu.memory_space<hbm>>)
      tpu.yield
    }) : () -> ()
    %eq3A = arith.constant 0 : i32
    %eq3A_115 = arith.cmpi eq, %arg1, %eq3A : i32
    %convert_element_type3A = arith.extui %eq3A_115 : i1 to i32
    %cond3A = arith.constant 0 : i32
    %cond3A_116 = arith.cmpi ne, %convert_element_type3A, %cond3A : i32
    scf.if %cond3A_116 {
      "tpu.region"() ({
        %run_scoped3A_117 = tpu.sem_alloc : memref<!tpu.dma_semaphore, #tpu.memory_space<semaphore_mem>>
        %dma_start3A_118 = arith.constant 9984 : i32
        %dma_start3A_119 = arith.constant 0 : i32
        %dma_start3A_120 = tpu.memref_slice %arg4[%arg0, %dma_start3A_118, %dma_start3A_119] : memref<2x10000x128xf32, #tpu.memory_space<hbm>> -> memref<1x16x128xf32, #tpu.memory_space<hbm>>
        %dma_start3A_121 = tpu.memref_squeeze %dma_start3A_120 : memref<1x16x128xf32, #tpu.memory_space<hbm>> -> memref<16x128xf32, #tpu.memory_space<hbm>>
        %dma_start3A_122 = arith.constant 9984 : i32
        %dma_start3A_123 = arith.constant 0 : i32
        %dma_start3A_124 = tpu.memref_slice %arg5[%dma_start3A_122, %dma_start3A_123] : memref<10240x128xf32, #tpu.memory_space<vmem_shared>> -> memref<16x128xf32, #tpu.memory_space<vmem_shared>>
        tpu.enqueue_dma source(%dma_start3A_124 : memref<16x128xf32, #tpu.memory_space<vmem_shared>>) target(%dma_start3A_121 : memref<16x128xf32, #tpu.memory_space<hbm>>) target_semaphore(%run_scoped3A_117 : memref<!tpu.dma_semaphore, #tpu.memory_space<semaphore_mem>>)
        %dma_wait3A = arith.constant 9984 : i32
        %dma_wait3A_125 = arith.constant 0 : i32
        %dma_wait3A_126 = tpu.memref_slice %arg4[%arg0, %dma_wait3A, %dma_wait3A_125] : memref<2x10000x128xf32, #tpu.memory_space<hbm>> -> memref<1x16x128xf32, #tpu.memory_space<hbm>>
        %dma_wait3A_127 = tpu.memref_squeeze %dma_wait3A_126 : memref<1x16x128xf32, #tpu.memory_space<hbm>> -> memref<16x128xf32, #tpu.memory_space<hbm>>
        %dma_wait3A_128 = arith.constant 9984 : i32
        %dma_wait3A_129 = arith.constant 0 : i32
        %dma_wait3A_130 = tpu.memref_slice %arg5[%dma_wait3A_128, %dma_wait3A_129] : memref<10240x128xf32, #tpu.memory_space<vmem_shared>> -> memref<16x128xf32, #tpu.memory_space<vmem_shared>>
        tpu.wait_dma2 semaphore(%run_scoped3A_117 : memref<!tpu.dma_semaphore, #tpu.memory_space<semaphore_mem>>) src(%dma_wait3A_130 : memref<16x128xf32, #tpu.memory_space<vmem_shared>>) dst(%dma_wait3A_127 : memref<16x128xf32, #tpu.memory_space<hbm>>)
        tpu.yield
      }) : () -> ()
    } else {
    }
    return
  }
}

module attributes {stable_mosaic.version = 14 : i64} {
  func.func @_tc_add_body(%arg0: i32, %arg1: memref<2x1000x128xf32, #tpu.memory_space<vmem>>, %arg2: memref<1000x128xf32, #tpu.memory_space<vmem>>) attributes {dimension_semantics = [#tpu.dimension_semantics<arbitrary>], iteration_bounds = array<i64: 10>, scalar_prefetch = 0 : i64, scratch_operands = 0 : i64, tpu.core_type = #tpu.core_type<tc>, window_params = [{transform_indices = @transform_0, window_bounds = array<i64: 2, 1000, 128>}, {transform_indices = @transform_1, window_bounds = array<i64: 1000, 128>}]} {
    %get3A = arith.constant 0 : index
    %get3A_0 = arith.constant 0 : index
    %get3A_1 = arith.constant 0 : index
    %get3A_2 = vector.load %arg1[%get3A, %get3A_0, %get3A_1] : memref<2x1000x128xf32, #tpu.memory_space<vmem>>, vector<1x1000x128xf32>
    %get3A_3 = vector.shape_cast %get3A_2 : vector<1x1000x128xf32> to vector<1000x128xf32>
    %get3A_4 = arith.constant 1 : index
    %get3A_5 = arith.constant 0 : index
    %get3A_6 = arith.constant 0 : index
    %get3A_7 = vector.load %arg1[%get3A_4, %get3A_5, %get3A_6] : memref<2x1000x128xf32, #tpu.memory_space<vmem>>, vector<1x1000x128xf32>
    %get3A_8 = vector.shape_cast %get3A_7 : vector<1x1000x128xf32> to vector<1000x128xf32>
    %add3A = arith.addf %get3A_3, %get3A_8 : vector<1000x128xf32>
    %swap3A = arith.constant 0 : index
    %swap3A_9 = arith.constant 0 : index
    %swap3A_10 = vector.load %arg2[%swap3A, %swap3A_9] : memref<1000x128xf32, #tpu.memory_space<vmem>>, vector<1000x128xf32>
    tpu.vector_store %arg2[%swap3A, %swap3A_9], %add3A {strides = array<i32>} : memref<1000x128xf32, #tpu.memory_space<vmem>>, vector<1000x128xf32>,
    return
  }
  func.func @transform_0(%arg0: i32) -> (i32, i32, i32) {
    %c0_i32 = arith.constant 0 : i32
    %c0_i32_0 = arith.constant 0 : i32
    %c0_i32_1 = arith.constant 0 : i32
    return %c0_i32, %arg0, %c0_i32_0 : i32, i32, i32
  }
  func.func @transform_1(%arg0: i32) -> (i32, i32) {
    %c0_i32 = arith.constant 0 : i32
    %c0_i32_0 = arith.constant 0 : i32
    return %arg0, %c0_i32 : i32, i32
  }
}

</mosaic_0001>

<sc_bundles>
// kernel: _run.4.cloned.1.call-start
scs
__scs_entry_jumppad:
0x0: {  	(pc) =	sbr.rel $0x88, $3  }
0x1: {  	(tag) =	ssettag $0x0;
	lr =	simm.s32 $0x1  }
0x2: {  	[smem:$0x3F9F] =	sst lr;
	_ =	strace $0xD0000000  }
0x3: {  	_ = 	snop  }
0x4: {  	_ = 	snop  }
0x5: {  	_ = 	snop  }
0x6: {  	_ = 	snop  }
0x7: {  	_ = 	snop  }
__scs_overlays_trampoline_lowered:
0x8: {  	[smem:$0x3FAE] =	sst s0  }
0x9: {  	[smem:$0x3FAF] =	sst s1  }
0xa: {  	[smem:$0x3FB0] =	sst s2  }
0xb: {  	[smem:$0x3FB1] =	sst s3  }
0xc: {  	[smem:$0x3FB2] =	sst s4  }
0xd: {  	[smem:$0x3FB3] =	sst s5  }
0xe: {  	[smem:$0x3FB4] =	sst s6  }
0xf: {  	[smem:$0x3FB5] =	sst s7  }
0x10: {  	[smem:$0x3FB6] =	sst s8  }
0x11: {  	[smem:$0x3FB7] =	sst s9;
	s0 =	simm.s32 @!p0 $0x0  }
0x12: {  	s1 =	sld [smem:$0x3F9D];
	s0 =	simm.s32 @p0 $0x1  }
0x13: {  	[smem:$0x3FB8] =	sst s0;
	s0 =	simm.s32 @!p1 $0x0  }
0x14: {  	s2 =	sld [smem:$0x3F9C];
	s0 =	simm.s32 @p1 $0x1  }
0x15: {  	[smem:$0x3FB9] =	sst s0;
	s0 =	simm.s32 @!p2 $0x0  }
0x16: {  	s3 =	sld [smem:$0x3FDB];
	s0 =	simm.s32 @p2 $0x1  }
0x17: {  	s4 =	simm.s32 $0x1BF5;
	[smem:$0x3FBB] =	sst s0  }
0x18: {  	s0 =	sld [smem:$0x3F9E];
	_ =	swait.ge [sflag:s4], $0x0  }
0x19: {  	s7 =	sld [smem:$0x3F9F]  }
0x1a: {  	s8 =	sadd.s32 $0xFFFFE003, lr  }
0x1b: {  	s9 =	sadd.s32 $0xFFFFFEF7, lr;
	s5 =	simm.s32 $0xFFFFFFFF;
	p2 =	slt.u32 s8, $0xFFFFF086  }
0x1c: {  	p1 =	slt.u32 s9, $0xF7A;
	s5 =	simm.s32 @!p2 $0x0  }
0x1d: {  	s5 =	simm.s32 @p1 $0x1;
	p0 =	seq.s32 s7, s2  }
0x1e: {  	s7 =	smul.u32 @!p0 $0xF7A, s2;
	p2 =	seq.s32 @!p0 s5, $0x0  }
0x1f: {  	s9 =	smul.u32 $0xF7A, s1;
	s8 =	simm.s32 @!p0 $0x1BF5;
	p2 =	por !p2, p0  }
0x20: {  	[sflag:s8] =	ssyncset.s32 @!p0 $0xFFFFF086;
	s6 =	sadd.s32 @!p0 s3, s7;
	s7 =	simm.s32 @!p0 $0x108  }
0x21: {  	s3 =	sadd.s32 s3, s9;
	s6 =	sadd.s32 @!p0 $0x88, s6;
	s7 =	simm.s32 @p2 $0x1082  }
0x22: {  	[simem:s7], [sflag:s8] =	dma.local @!p0 [hbm:s6], $0xF7A  }
0x23: {  	s9 =	sor.u32 $0xD0000000, s2;
	s6 =	simm.s32 $0x108;
	_ =	swait.ge @!p0 [sflag:s8], $0x0  }
0x24: {  	s3 =	sadd.s32 $0x88, s3;
	s6 =	simm.s32 @!p1 $0x1082;
	[sflag:s4] =	ssyncset.s32 $0xFFFFF086  }
0x25: {  	[simem:s6], [sflag:s4] =	dma.local [hbm:s3], $0xF7A  }
0x26: {  	[smem:$0x3F9F] =	sst s1;
	(tag) =	ssettag s2;
	_ =	strace s9  }
0x27: {  	s1 =	sld [smem:$0x3FAF]  }
0x28: {  	s2 =	sld [smem:$0x3FB0]  }
0x29: {  	s4 =	sld [smem:$0x3FB2]  }
0x2a: {  	p0 =	seq.s32 s5, $0x0;
	s5 =	sld [smem:$0x3FB3]  }
0x2b: {  	s6 =	sld [smem:$0x3FB4]  }
0x2c: {  	s7 =	sld [smem:$0x3FB5]  }
0x2d: {  	s3 =	simm.s32 $0x108;
	s8 =	sld [smem:$0x3FB6]  }
0x2e: {  	s3 =	simm.s32 @!p0 $0x1082;
	s9 =	sld [smem:$0x3FB7]  }
0x2f: {  	lr =	sadd.s32 s0, s3;
	s0 =	sld [smem:$0x3FAE]  }
0x30: {  	s3 =	sld [smem:$0x3FB1]  }
0x31: {  	[smem:$0x3FBA] =	sst s10  }
0x32: {  	s10 =	sld [smem:$0x3FB8];
	_ =	sdelay $0x3  }
0x33: {  	p0 =	seq.s32 s10, $0x1;
	s10 =	sld [smem:$0x3FBA];
	_ =	sdelay $0x3  }
0x34: {  	[smem:$0x3FBA] =	sst s10  }
0x35: {  	s10 =	sld [smem:$0x3FB9];
	_ =	sdelay $0x3  }
0x36: {  	p1 =	seq.s32 s10, $0x1;
	s10 =	sld [smem:$0x3FBA];
	_ =	sdelay $0x3  }
0x37: {  	[smem:$0x3FBA] =	sst s10  }
0x38: {  	s10 =	sld [smem:$0x3FBB]  }
0x39: {  	_ = 	snop;
	(pc) =	sbr.ind lr, $3  }
0x3a: {  	_ = 	snop  }
0x3b: {  	_ = 	snop  }
0x3c: {  	p2 =	seq.s32 s10, $0x1;
	s10 =	sld [smem:$0x3FBA]  }
0x3d: {  	_ =	shalt  }
0x3e: {  	_ =	shalt  }
0x3f: {  	_ =	shalt  }
0x40: {  	_ =	shalt  }
0x41: {  	_ =	shalt  }
0x42: {  	_ =	shalt  }
0x43: {  	_ =	shalt  }
0x44: {  	_ =	shalt  }
0x45: {  	_ =	shalt  }
0x46: {  	_ =	shalt  }
0x47: {  	_ =	shalt  }
0x48: {  	_ =	shalt  }
0x49: {  	_ =	shalt  }
0x4a: {  	_ =	shalt  }
0x4b: {  	_ =	shalt  }
0x4c: {  	_ =	shalt  }
0x4d: {  	_ =	shalt  }
0x4e: {  	_ =	shalt  }
0x4f: {  	_ =	shalt  }
0x50: {  	_ =	shalt  }
0x51: {  	_ =	shalt  }
0x52: {  	_ =	shalt  }
0x53: {  	_ =	shalt  }
0x54: {  	_ =	shalt  }
0x55: {  	_ =	shalt  }
0x56: {  	_ =	shalt  }
0x57: {  	_ =	shalt  }
0x58: {  	_ =	shalt  }
0x59: {  	_ =	shalt  }
0x5a: {  	_ =	shalt  }
0x5b: {  	_ =	shalt  }
0x5c: {  	_ =	shalt  }
0x5d: {  	_ =	shalt  }
0x5e: {  	_ =	shalt  }
0x5f: {  	_ =	shalt  }
0x60: {  	_ =	shalt  }
0x61: {  	_ =	shalt  }
0x62: {  	_ =	shalt  }
0x63: {  	_ =	shalt  }
0x64: {  	_ =	shalt  }
0x65: {  	_ =	shalt  }
0x66: {  	_ =	shalt  }
0x67: {  	_ =	shalt  }
0x68: {  	_ =	shalt  }
0x69: {  	_ =	shalt  }
0x6a: {  	_ =	shalt  }
0x6b: {  	_ =	shalt  }
0x6c: {  	_ =	shalt  }
0x6d: {  	_ =	shalt  }
0x6e: {  	_ =	shalt  }
0x6f: {  	_ =	shalt  }
0x70: {  	_ =	shalt  }
0x71: {  	_ =	shalt  }
0x72: {  	_ =	shalt  }
0x73: {  	_ =	shalt  }
0x74: {  	_ =	shalt  }
0x75: {  	_ =	shalt  }
0x76: {  	_ =	shalt  }
0x77: {  	_ =	shalt  }
0x78: {  	_ =	shalt  }
0x79: {  	_ =	shalt  }
0x7a: {  	_ =	shalt  }
0x7b: {  	_ =	shalt  }
0x7c: {  	_ =	shalt  }
0x7d: {  	_ =	shalt  }
0x7e: {  	_ =	shalt  }
0x7f: {  	_ =	shalt  }
0x80: {  	_ =	shalt  }
0x81: {  	_ =	shalt  }
0x82: {  	_ =	shalt  }
0x83: {  	_ =	shalt  }
0x84: {  	_ =	shalt  }
0x85: {  	_ =	shalt  }
0x86: {  	_ =	shalt  }
0x87: {  	_ =	shalt  }
.Lfunc_end0:
.L_simem_size_0:
called_computation_lowered:
.L_overlay_start_0:
0x88: {  	s2 =	sld [smem:$0x3FD9]  }
0x89: {  	s3 =	sld [smem:$0x3FFE];
	_ =	sdelay $0x1  }
0x8a: {  	s1 =	srdreg.scid  }
0x8b: {  	s0 =	sand.u32 $0x1, s1  }
0x8c: {  	s17 =	sshll.u32 s0, $0xA;
	s2 =	sadd.s32 s3, s2  }
0x8d: {  	s2 =	sadd.s32 s2, s17  }
0x8e: {  	[smem:$0x3FC6] =	sst s2  }
0x8f: {  	_ = 	snop  }
0x90: {  	s2 =	sld [smem:$0x3FC9]  }
0x91: {  	s18 =	sld [smem:$0x3FD0];
	(tm) =	ssettm $0x1  }
0x92: {  	s4 =	sld [smem:$0x3FFB];
	_ =	sdelay $0x3  }
0x93: {  	_ =	strace s4  }
0x94: {  	s4 =	sld [smem:$0x3FFC];
	_ =	sdelay $0x3  }
0x95: {  	_ =	strace s4  }
0x96: {  	s4 =	sld [smem:$0x3FFD];
	_ =	sdelay $0x3  }
0x97: {  	_ =	strace s4  }
0x98: {  	_ =	strace $0x8FFFFFFF  }
0x99: {  	s19 =	sld [smem:$0x3FDB];
	_ =	sdelay $0x1  }
0x9a: {  	s5 =	simm.s32 $_scs_section_size  }
0x9b: {  	s6 =	simm.s32 $_size__tile_overlayer_lowered;
	s7 =	simm.s32 $_tile_overlayer_lowered  }
0x9c: {  	s22 =	simm.s32 $0x1BFF;
	s21 =	sshll.u32 s7, $0x1;
	s4 =	sadd.s32 s5, s19  }
0x9d: {  	s8 =	simm.s32 $0x0;
	s20 =	sshll.u32 s6, $0x1;
	s6 =	sadd.s32 s21, s4  }
0x9e: {  	[timem:s8], [sflag:s22] =	dma.local [hbm:s6], s20  }
0x9f: {  	_ =	swait.ge [sflag:s22], s20  }
0xa0: {  	s5 =	ssub.s32 $0x0, s20;
	[sflag:s22] =	ssyncset.done $0x0  }
0xa1: {  	[sflag:s22] =	ssyncadd.s32 s5;
	_ =	sdelay $0x1  }
0xa2: {  	s23 =	simm.s32 $0x1B8B  }
0xa3: {  	_ =	swait.ge [sflag:s23], $0x1  }
0xa4: {  	[sflag:s23] =	ssyncset.done $0x0  }
0xa5: {  	s25 =	simm.s32 $0x1B8E;
	s24 =	sld [smem:$0x3FFE];
	[sflag:s23] =	ssyncadd.s32 $0xFFFFFFFF  }
0xa6: {  	s26 =	simm.s32 $execute0_lowered;
	[smem:$0x3FD2] =	sst s25  }
0xa7: {  	s6 =	sshll.u32 s26, $0x1;
	_ =	strace $0x80000046;
	[dreg:$0x1] =	wrdreg $0xFFFFFFFF  }
0xa8: {  	s28 =	simm.s32 $_size_execute0_lowered;
	s4 =	sadd.s32 s4, s6;
	[dreg:$0x0] =	wrdreg $0x0  }
0xa9: {  	s6 =	sshll.u32 s28, $0x1;
	[dreg:$0x2] =	wrdreg s4  }
0xaa: {  	[dreg:$0x3] =	wrdreg s6  }
0xab: {  	[dreg:$0x4] =	wrdreg $0xC0  }
0xac: {  	_ =	task [dreg:s8], $0x5FFFF  }
0xad: {  	[dreg:$0x1] =	wrdreg $0xFFFFFFFF  }
0xae: {  	[dreg:$0x0] =	wrdreg $0x60  }
0xaf: {  	[dreg:$0x2] =	wrdreg s2  }
0xb0: {  	[dreg:$0x3] =	wrdreg s18  }
0xb1: {  	[dreg:$0x4] =	wrdreg s24  }
0xb2: {  	[dreg:$0x5] =	wrdreg $0x0  }
0xb3: {  	[dreg:$0x6] =	wrdreg $0x9  }
0xb4: {  	_ =	task.clear_ibuf [dreg:s8], $0x7FFFF;
	_ =	strace $0x90000046  }
0xb5: {  	s29 =	simm.s32 $0x9;
	_ =	strace $0x80000048  }
0xb6: {  	_ =	swait.ge [sflag:s29], $0x1  }
0xb7: {  	[sflag:s29] =	ssyncadd.s32 $0xFFFFFFFF  }
0xb8: {  	_ =	strace $0x90000048  }
0xb9: {  	_ =	sfence  }
0xba: {  	s30 =	sld [smem:$0x0];
	_ =	sdelay $0x2  }
0xbb: {  	s31 =	sshll.u32 s1, $0xD;
	s1 =	sshrl.u32 s1, $0x2  }
0xbc: {  	s3 =	sand.u32 $0x4000, s31;
	s1 =	sadd.s32 s1, s30  }
0xbd: {  	s0 =	sor.u32 s3, s0;
	s1 =	sshll.u32 s1, $0x11  }
0xbe: {  	s0 =	sor.u32 s1, s0  }
0xbf: {  	s0 =	sadd.s32 $0x8F2B, s0  }
0xc0: {  	[sflag:s0] =	ssyncadd.remote.s32 $0x1  }
0xc1: {  	_ =	sfence.sel $0xFFFF  }
0xc2: {  	[dreg:$0x0] =	wrdreg $0xFFFFFFFF;
	(pc) =	sbr.abs _section_cstart, $3  }
0xc3: {  	[dreg:$0x1] =	wrdreg $0xFFFFFFFF  }
0xc4: {  	_ =	task.clear_ibuf [dreg:s8], $0x2FFFF;
	_ =	strace $0x9FFFFFFF  }
0xc5: {  	(tm) =	ssettm $0x7FFFFFFF  }
tec
execute0_lowered:
.L_overlay_start_1:
0x0: {  	(tag) =	ssettag $0x1  }
0x1: {  	s1 =	rddreg [dreg:$0x0]  }
0x2: {  	s0 =	rddreg [dreg:$0x1]  }
0x3: {  	s4 =	rddreg [dreg:$0x2]  }
0x4: {  	s2 =	rddreg [dreg:$0x3]  }
0x5: {  	s3 =	srdreg.scid;
	s10 =	stileid.u32  }
0x6: {  	s28 =	simm.s32 $0x4;
	s29 =	simm.s32 $0x18400;
	s7 =	smul.u32 $0x50000, s10  }
0x7: {  	s30 =	simm.s32 $0x1;
	s31 =	simm.s32 $0x14080;
	s17 =	smul.u32 $0x13800, s10  }
0x8: {  	s6 =	sand.u32 $0x1, s3;
	s3 =	simm.s32 $0x0;
	s22 =	smul.u32 $0x4E000, s10  }
0x9: {  	s25 =	smul.u32 $0xA00, s10;
	p0 =	sne.s32 s10, $0x0;
	s5 =	sshll.u32 s6, $0x4  }
0xa: {  	[smem:$0x7FF] =	sst s3;
	s8 =	ssub.s32 $0x2, s6;
	s11 =	smul.u32 $0x138800, s6  }
0xb: {  	s6 =	smul.u32 $0xA000, s6;
	s5 =	sor.u32 s10, s5;
	_ =	strace $0x80000047  }
0xc: {  	s16 =	sshrl.u32 s8, $0x1;
	s7 =	sshrl.u32 s7, $0x2;
	s23 =	sshrl.u32 s22, $0x2  }
0xd: {  	s22 =	simm.s32 $0x14100;
	s9 =	smul.u32 $0xA00, s5;
	s5 =	sadd.s32 s7, s2  }
0xe: {  	s8 =	ssub.s32 s8, s16;
	s7 =	sadd.s32 s17, s11;
	s12 =	sadd.s32 $0x4000, s5  }
0xf: {  	s24 =	sshrl.u32 s11, $0x3;
	s18 =	sadd.s32 $0x8000, s5;
	[dreg:$0x5] =	wrdreg s12  }
0x10: {  	s11 =	simm.s32 $0x3;
	s19 =	sadd.s32 $0xC000, s5;
	[dreg:$0x6] =	wrdreg s18  }
0x11: {  	s20 =	sadd.s32 $0x10000, s5;
	s7 =	sshrl.u32 s7, $0x3;
	[dreg:$0x7] =	wrdreg s19  }
0x12: {  	s26 =	smax.u32 s8, $0x1;
	s8 =	simm.s32 $0x14280;
	[dreg:$0x8] =	wrdreg s20  }
0x13: {  	s21 =	sadd.s32 s0, s9;
	s7 =	sadd.s32 s4, s7;
	s4 =	sadd.s32 s4, s24  }
0x14: {  	s0 =	sadd.s32 s6, s0;
	[dreg:$0xf] =	wrdreg s26;
	s18 =	simm.s32 $0x14400  }
0x15: {  	s19 =	simm.s32 $0x7;
	s20 =	simm.s32 $0x14000;
	s26 =	simm.s32 $0x14300  }
0x16: {  	s6 =	simm.s32 $0x14180;
	s9 =	sadd.s32 $0x20, s21;
	[dreg:$0x9] =	wrdreg s21  }
0x17: {  	s13 =	sadd.s32 $0x40, s21;
	s12 =	sadd.s32 $0x60, s21;
	[dreg:$0xd] =	wrdreg s7  }
0x18: {  	s7 =	sadd.s32 s23, s2;
	s4 =	sadd.s32 $0x27000, s4;
	[dreg:$0xa] =	wrdreg s9  }
.Ltmp0:
0x19: {  	s17 =	sadd.s32 s25, s0;
	[dreg:$0xb] =	wrdreg s13;
	(pc) =	sbr.rel .LBB2_1-.Ltmp0, $4  }
0x1a: {  	s21 =	simm.s32 $0x80;
	s23 =	simm.s32 $0x14200;
	[dreg:$0xc] =	wrdreg s12  }
0x1b: {  	s0 =	simm.s32 $0x5;
	[dreg:$0xe] =	wrdreg s4;
	s4 =	sadd.s32 $0x138000, s2  }
0x1c: {  	s24 =	sshrl.u32 s7, $0x3;
	s7 =	simm.s32 $0x6;
	s9 =	simm.s32 $0x14380  }
0x1d: {  	v0 =	vimm.f32 $0.0e+00;
	s12 =	simm.s32 $0x0;
	s25 =	sshrl.u32 @!p0 s4, $0x3;
	s4 =	simm.s32 $0x2  }
.LBB2_6:
0x1e: {  	_ =	swait.ge [sflag:s4], $0x4000  }
0x1f: {  	[sflag:s4] =	ssyncset.done $0x0  }
0x20: {  	[sflag:s4] =	ssyncadd.s32 $0xFFFFC000  }
0x21: {  	[spmem:s2] =	stream.indirect.scatter.add.f32 [tilespmem:s29], [sflag:$0x7], $0x80, s9, s21, $0xb8;
	[tilespmem:$0x1C400] =	vst v63  }
0x22: {  	_ =	swait.ge [sflag:s19], $0x4000  }
0x23: {  	[sflag:s19] =	ssyncset.done $0x0  }
0x24: {  	s10 =	stileid.u32;
	[sflag:s19] =	ssyncadd.s32 $0xFFFFC000  }
0x25: {  	s10 =	sshll.u32 s10, $0x6;
	[bflag:$0x0] =	sbarrier.arrive $0xFFFF  }
0x26: {  	s10 =	sor.u32 $0x1C07, s10;
	s13 =	rddreg [dreg:$0xd]  }
0x27: {  	[hbm:s13], [sflag:s10] =	dma.local [spmem:s24], $0x2700  }
0x28: {  	_ =	swait.ge [sflag:s19], $0x2700  }
0x29: {  	[sflag:s19] =	ssyncset.done $0x0  }
0x2a: {  	s13 =	rddreg [dreg:$0xe];
	[sflag:s19] =	ssyncadd.s32 $0xFFFFD900  }
0x2b: {  	[hbm:s13], [sflag:s10] =	dma.local @!p0 [spmem:s25], $0x100  }
0x2c: {  	s10 =	simm.s32 @!p0 $0x7  }
0x2d: {  	_ =	swait.ge @!p0 [sflag:s10], $0x100  }
0x2e: {  	s12 =	sadd.s32 $0x1, s12;
	s16 =	rddreg [dreg:$0xf]  }
0x2f: {  	p1 =	sne.s32 s12, s16  }
.Ltmp1:
0x30: {  	_ = 	snop;
	(pc) =	sbr.rel @!p1 .LBB2_7-.Ltmp1, $3  }
0x31: {  	_ =	sdelay $0x1  }
0x32: {  	[sflag:s10] =	ssyncset.done @!p0 $0x0  }
0x33: {  	[sflag:s10] =	ssyncadd.s32 @!p0 $0xFFFFFF00  }
.LBB2_1:
0x34: {  	s13 =	simm.s32 $0x0;
	s14 =	simm.s32 $0x200  }
.LBB2_2:
0x35: {  	p1 =	sne.s32 s14, $0xFE00;
	[tilespmem:s13+$0x14470] =	vst v0  }
0x36: {  	[tilespmem:s13+$0x14400] =	vst v0  }
0x37: {  	[tilespmem:s13+$0x14410] =	vst v0  }
.Ltmp2:
0x38: {  	[tilespmem:s13+$0x14420] =	vst v0;
	(pc) =	sbr.rel @p1 .LBB2_2-.Ltmp2, $4  }
0x39: {  	[tilespmem:s13+$0x14430] =	vst v0  }
0x3a: {  	[tilespmem:s13+$0x14440] =	vst v0  }
0x3b: {  	[tilespmem:s13+$0x14450] =	vst v0  }
0x3c: {  	[tilespmem:s13+$0x14460] =	vst v0;
	s13 =	sshra.s32 s14, $0x2;
	s14 =	sadd.s32 $0x200, s14  }
0x3d: {  	[tilespmem:s13+$0x14470] =	vst v0  }
0x3e: {  	[tilespmem:s13+$0x14400] =	vst v0  }
0x3f: {  	[tilespmem:s13+$0x14410] =	vst v0  }
0x40: {  	[tilespmem:s13+$0x14420] =	vst v0  }
0x41: {  	[tilespmem:s13+$0x14430] =	vst v0  }
0x42: {  	[tilespmem:s13+$0x14440] =	vst v0  }
0x43: {  	[tilespmem:s13+$0x14450] =	vst v0  }
0x44: {  	[tilespmem:s13+$0x14460] =	vst v0  }
0x45: {  	[spmem:s5] =	stream.linear.scatter [tilespmem:s18], [sflag:$0x7], $0x4000, $0x38;
	[tilespmem:$0x1C400] =	vst v63  }
0x46: {  	_ =	swait.ge [sflag:s19], $0x4000  }
0x47: {  	[sflag:s19] =	ssyncset.done $0x0  }
0x48: {  	s10 =	rddreg [dreg:$0x5];
	[sflag:s19] =	ssyncadd.s32 $0xFFFFC000  }
0x49: {  	[spmem:s10] =	stream.linear.scatter [tilespmem:s18], [sflag:$0x7], $0x4000, $0x38;
	[tilespmem:$0x1C400] =	vst v63  }
0x4a: {  	_ =	swait.ge [sflag:s19], $0x4000  }
0x4b: {  	[sflag:s19] =	ssyncset.done $0x0  }
0x4c: {  	s13 =	rddreg [dreg:$0x6];
	[sflag:s19] =	ssyncadd.s32 $0xFFFFC000  }
0x4d: {  	[spmem:s13] =	stream.linear.scatter [tilespmem:s18], [sflag:$0x7], $0x4000, $0x38;
	[tilespmem:$0x1C400] =	vst v63  }
0x4e: {  	_ =	swait.ge [sflag:s19], $0x4000  }
0x4f: {  	[sflag:s19] =	ssyncset.done $0x0  }
0x50: {  	s14 =	rddreg [dreg:$0x7];
	[sflag:s19] =	ssyncadd.s32 $0xFFFFC000  }
0x51: {  	[spmem:s14] =	stream.linear.scatter [tilespmem:s18], [sflag:$0x7], $0x4000, $0x38;
	[tilespmem:$0x1C400] =	vst v63  }
0x52: {  	_ =	swait.ge [sflag:s19], $0x4000  }
0x53: {  	[sflag:s19] =	ssyncset.done $0x0  }
0x54: {  	s15 =	rddreg [dreg:$0x8];
	[sflag:s19] =	ssyncadd.s32 $0xFFFFC000  }
0x55: {  	[spmem:s15] =	stream.linear.scatter [tilespmem:s18], [sflag:$0x7], $0x4000, $0x38;
	[tilespmem:$0x1C400] =	vst v63  }
0x56: {  	_ =	swait.ge [sflag:s19], $0x4000  }
0x57: {  	[sflag:s19] =	ssyncset.done $0x0  }
0x58: {  	s13 =	simm.s32 $0x0;
	s16 =	rddreg [dreg:$0x9];
	[sflag:s19] =	ssyncadd.s32 $0xFFFFC000  }
0x59: {  	[tilespmem:s20], [sflag:$0x7] =	stream.linear.gather [hbm4b:s16+s13], $0x100, $0x38;
	[tilespmem:$0x1C400] =	vst v63  }
0x5a: {  	_ =	swait.ge [sflag:s19], $0x100  }
0x5b: {  	[sflag:s19] =	ssyncset.done $0x0  }
0x5c: {  	[sflag:s19] =	ssyncadd.s32 $0xFFFFFF00  }
0x5d: {  	[tilespmem:s18], [sflag:$0x1] =	stream.indirect.gather [hbm4b:s1+s21], $0x80, s20, s21, $0xb8;
	[tilespmem:$0x1C400] =	vst v63  }
0x5e: {  	s14 =	rddreg [dreg:$0xa]  }
0x5f: {  	[tilespmem:s22], [sflag:$0x4] =	stream.linear.gather [hbm4b:s14+s13], $0x100, $0x38;
	[tilespmem:$0x1C400] =	vst v63  }
0x60: {  	s15 =	rddreg [dreg:$0xb]  }
0x61: {  	[tilespmem:s23], [sflag:$0x5] =	stream.linear.gather [hbm4b:s15+s13], $0x100, $0x38;
	[tilespmem:$0x1C400] =	vst v63  }
0x62: {  	s16 =	rddreg [dreg:$0xc]  }
0x63: {  	[tilespmem:s26], [sflag:$0x6] =	stream.linear.gather [hbm4b:s16+s13], $0x100, $0x38;
	[tilespmem:$0x1C400] =	vst v63  }
0x64: {  	[bflag:$0x0] =	sbarrier.arrive $0xFFFF  }
.LBB2_4:
0x65: {  	_ =	swait.ge [sflag:s28], $0x100  }
0x66: {  	[sflag:s28] =	ssyncset.done $0x0  }
0x67: {  	[sflag:s28] =	ssyncadd.s32 $0xFFFFFF00  }
0x68: {  	[tilespmem:s29], [sflag:$0x2] =	stream.indirect.gather [hbm4b:s1+s21], $0x80, s22, s21, $0xb8;
	[tilespmem:$0x1C400] =	vst v63  }
0x69: {  	_ =	swait.ge [sflag:s30], $0x4000  }
0x6a: {  	[sflag:s30] =	ssyncset.done $0x0  }
0x6b: {  	[sflag:s30] =	ssyncadd.s32 $0xFFFFC000  }
0x6c: {  	[spmem:s2] =	stream.indirect.scatter.add.f32 [tilespmem:s18], [sflag:$0x7], $0x80, s31, s21, $0xb8;
	[tilespmem:$0x1C400] =	vst v63  }
0x6d: {  	p1 =	seq.s32 s13, $0x980;
	_ =	swait.ge [sflag:s19], $0x4000  }
0x6e: {  	s14 =	sadd.s32 @!p1 s13, s17;
	s16 =	simm.s32 @!p1 $0x0;
	[sflag:s19] =	ssyncset.done $0x0  }
0x6f: {  	s10 =	simm.s32 @!p1 $0x14000;
	s15 =	sadd.s32 @!p1 $0x80, s14;
	[sflag:s19] =	ssyncadd.s32 $0xFFFFC000  }
0x70: {  	[tilespmem:s10], [sflag:$0x3] =	stream.linear.gather @!p1 [hbm4b:s15+s16], $0x100, $0x38;
	[tilespmem:$0x1C400] =	vst v63  }
0x71: {  	_ =	swait.ge [sflag:s0], $0x100  }
0x72: {  	[sflag:s0] =	ssyncset.done $0x0  }
0x73: {  	[sflag:s0] =	ssyncadd.s32 $0xFFFFFF00  }
0x74: {  	[tilespmem:s18], [sflag:$0x1] =	stream.indirect.gather [hbm4b:s1+s21], $0x80, s23, s21, $0xb8;
	[tilespmem:$0x1C400] =	vst v63  }
0x75: {  	_ =	swait.ge [sflag:s4], $0x4000  }
0x76: {  	[sflag:s4] =	ssyncset.done $0x0  }
0x77: {  	[sflag:s4] =	ssyncadd.s32 $0xFFFFC000  }
0x78: {  	[spmem:s2] =	stream.indirect.scatter.add.f32 [tilespmem:s29], [sflag:$0x7], $0x80, s6, s21, $0xb8;
	[tilespmem:$0x1C400] =	vst v63  }
0x79: {  	_ =	swait.ge [sflag:s19], $0x4000  }
0x7a: {  	[sflag:s19] =	ssyncset.done $0x0  }
0x7b: {  	s10 =	sadd.s32 @!p1 $0xA0, s14;
	s14 =	simm.s32 @!p1 $0x14100;
	[sflag:s19] =	ssyncadd.s32 $0xFFFFC000  }
0x7c: {  	[tilespmem:s14], [sflag:$0x4] =	stream.linear.gather @!p1 [hbm4b:s10+s16], $0x100, $0x38;
	[tilespmem:$0x1C400] =	vst v63  }
0x7d: {  	_ =	swait.ge [sflag:s7], $0x100  }
0x7e: {  	[sflag:s7] =	ssyncset.done $0x0  }
0x7f: {  	[sflag:s7] =	ssyncadd.s32 $0xFFFFFF00  }
0x80: {  	[tilespmem:s29], [sflag:$0x2] =	stream.indirect.gather [hbm4b:s1+s21], $0x80, s26, s21, $0xb8;
	[tilespmem:$0x1C400] =	vst v63  }
0x81: {  	_ =	swait.ge [sflag:s30], $0x4000  }
0x82: {  	[sflag:s30] =	ssyncset.done $0x0  }
.Ltmp3:
0x83: {  	[sflag:s30] =	ssyncadd.s32 $0xFFFFC000;
	(pc) =	sbr.rel @p1 .LBB2_6-.Ltmp3, $4  }
0x84: {  	[spmem:s2] =	stream.indirect.scatter.add.f32 [tilespmem:s18], [sflag:$0x7], $0x80, s8, s21, $0xb8;
	[tilespmem:$0x1C400] =	vst v63  }
0x85: {  	_ =	swait.ge [sflag:s19], $0x4000  }
0x86: {  	[sflag:s19] =	ssyncset.done $0x0  }
0x87: {  	[sflag:s19] =	ssyncadd.s32 $0xFFFFC000  }
0x88: {  	s10 =	sadd.s32 s13, s17  }
0x89: {  	s14 =	sadd.s32 $0xC0, s10  }
0x8a: {  	[tilespmem:s23], [sflag:$0x5] =	stream.linear.gather [hbm4b:s14+s3], $0x100, $0x38;
	[tilespmem:$0x1C400] =	vst v63  }
0x8b: {  	_ =	swait.ge [sflag:s11], $0x100  }
0x8c: {  	[sflag:s11] =	ssyncset.done $0x0  }
0x8d: {  	[sflag:s11] =	ssyncadd.s32 $0xFFFFFF00  }
0x8e: {  	[tilespmem:s18], [sflag:$0x1] =	stream.indirect.gather [hbm4b:s1+s21], $0x80, s20, s21, $0xb8;
	[tilespmem:$0x1C400] =	vst v63  }
0x8f: {  	_ =	swait.ge [sflag:s4], $0x4000  }
0x90: {  	[sflag:s4] =	ssyncset.done $0x0  }
0x91: {  	[sflag:s4] =	ssyncadd.s32 $0xFFFFC000  }
0x92: {  	[spmem:s2] =	stream.indirect.scatter.add.f32 [tilespmem:s29], [sflag:$0x7], $0x80, s9, s21, $0xb8;
	[tilespmem:$0x1C400] =	vst v63  }
.Ltmp4:
0x93: {  	_ = 	snop;
	(pc) =	sbr.rel .LBB2_4-.Ltmp4, $4  }
0x94: {  	_ =	swait.ge [sflag:s19], $0x4000  }
0x95: {  	[sflag:s19] =	ssyncset.done $0x0  }
0x96: {  	s13 =	sadd.s32 $0x80, s13;
	s10 =	sadd.s32 $0xE0, s10;
	[sflag:s19] =	ssyncadd.s32 $0xFFFFC000  }
0x97: {  	[tilespmem:s26], [sflag:$0x6] =	stream.linear.gather [hbm4b:s10+s3], $0x100, $0x38;
	[tilespmem:$0x1C400] =	vst v63  }
.LBB2_7:
0x98: {  	_ =	sfence.sel $0x180000  }
0x99: {  	[bflag:$0x0] =	sbarrier.arrive $0xFFFF  }
0x9a: {  	_ =	strace $0x90000047  }
0x9b: {  	[bflag:$0x2] =	sbarrier.arrive $0xFFFF  }
0x9c: {  	s0 =	rddreg [dreg:$0x4]  }
0x9d: {  	s0 =	sadd.s32 @!p0 $0x100000, s0  }
0x9e: {  	[sflag:s0] =	ssyncadd.tile.s32 @!p0 $0x1;
	_ =	shalt  }
.Lfunc_end2:
_tile_overlayer_lowered:
.L_overlay_start_2:
0x9f: {  	(tag) =	ssettag $0x2  }
0xa0: {  	s0 =	rddreg [dreg:$0x0];
	s2 =	stileid.u32  }
0xa1: {  	s1 =	rddreg [dreg:$0x1];
	p0 =	sne.s32 s2, $0x0  }
0xa2: {  	s3 =	rddreg [dreg:$0x2];
	[bflag:$0x3] =	sbarrier.arrive $0xFFFF;
	s2 =	simm.s32 @!p0 $0x1C07  }
0xa3: {  	[timem:s3], [sflag:s2] =	dma.local @!p0 [hbm:s0], s1  }
0xa4: {  	s0 =	simm.s32 @!p0 $0x7  }
0xa5: {  	_ =	swait.ge @!p0 [sflag:s0], s1  }
0xa6: {  	s1 =	ssub.s32 @!p0 $0x0, s1;
	[sflag:s0] =	ssyncset.done @!p0 $0x0  }
0xa7: {  	[sflag:s0] =	ssyncadd.s32 @!p0 s1  }
0xa8: {  	[bflag:$0x3] =	sbarrier.arrive $0xFFFF  }
0xa9: {  	_ =	shalt  }

</sc_bundles>
